<compile_context>
chip_gen: v7x
topology: tpu7x:2x2x1
jax: 0.10.2.dev20260603
libtpu: 0.0.44.dev20260713+nightly
codegen_flags: <defaults>
</compile_context>

<pallas_src>
import functools

import jax
import jax.numpy as jnp
from jax import lax
from jax.experimental import pallas as pl
from jax.experimental.pallas import tpu as pltpu
from jax.experimental.pallas import tpu_sc as plsc

BATCH = 16384
NUM_FEATURES = 16384
NUM_CLASSES = 2

BM = 128


def _tc_linear_kernel(x_ref, w_ref, b_ref, o_ref):
    acc = jax.lax.dot_general(
        x_ref[...], w_ref[...], (((1,), (1,)), ((), ())),
        preferred_element_type=jnp.float32,
    )
    o_ref[...] = acc + b_ref[...]


def _tc_part(x, W, b2, row_off):
    off_blocks = row_off // BM
    return pl.pallas_call(
        _tc_linear_kernel,
        grid=((BATCH - row_off) // BM,),
        in_specs=[
            pl.BlockSpec((BM, NUM_FEATURES), lambda i: (i + off_blocks, 0)),
            pl.BlockSpec((NUM_CLASSES, NUM_FEATURES), lambda i: (0, 0)),
            pl.BlockSpec((1, NUM_CLASSES), lambda i: (0, 0)),
        ],
        out_specs=pl.BlockSpec((BM, NUM_CLASSES), lambda i: (i + off_blocks, 0)),
        out_shape=jax.ShapeDtypeStruct((BATCH, NUM_CLASSES), jnp.float32),
    )(x, W, b2)


NC = 2
NS = 16
NW = NC * NS
L = 16

SC_ROWS = 2048
RPW = SC_ROWS // NW
RB = 4
GROUP = 16
KC = NUM_FEATURES // L


def _sc_linear(x_sc, W, binit):
    mesh = plsc.VectorSubcoreMesh(core_axis_name="c", subcore_axis_name="s")

    @functools.partial(
        pl.kernel,
        mesh=mesh,
        out_type=jax.ShapeDtypeStruct((SC_ROWS, NUM_CLASSES), jnp.float32),
        scratch_types=[
            pltpu.VMEM((NUM_CLASSES, NUM_FEATURES), jnp.float32),
            pltpu.VMEM((NUM_CLASSES, L), jnp.float32),
            pltpu.VMEM((RB, NUM_FEATURES), jnp.float32),
            pltpu.VMEM((NUM_CLASSES, GROUP, L), jnp.float32),
            pltpu.VMEM((RPW, NUM_CLASSES), jnp.float32),
        ],
        compiler_params=pltpu.CompilerParams(needs_layout_passes=False),
    )
    def k(x_hbm, w_hbm, binit_hbm, out_hbm, wbuf, bbuf, xbuf, pend, obuf):
        cid = lax.axis_index("c")
        sid = lax.axis_index("s")
        wid = sid * NC + cid
        base = wid * RPW

        pltpu.sync_copy(w_hbm, wbuf)
        pltpu.sync_copy(binit_hbm, bbuf)

        lane_ids = lax.iota(jnp.int32, L)

        def group_body(g, _):
            for sb in range(GROUP // RB):
                row_in_g = sb * RB
                row0 = base + g * GROUP + row_in_g
                pltpu.sync_copy(x_hbm.at[pl.ds(row0, RB)], xbuf)

                def chunk_body(kk, carry):
                    accs = list(carry)
                    off = kk * L
                    w0 = wbuf[0, pl.ds(off, L)]
                    w1 = wbuf[1, pl.ds(off, L)]
                    for r in range(RB):
                        xv = xbuf[r, pl.ds(off, L)]
                        accs[2 * r] = accs[2 * r] + xv * w0
                        accs[2 * r + 1] = accs[2 * r + 1] + xv * w1
                    return tuple(accs)

                init = []
                for r in range(RB):
                    init.append(bbuf[0, :])
                    init.append(bbuf[1, :])
                accs = lax.fori_loop(0, KC, chunk_body, tuple(init))

                for r in range(RB):
                    for c in range(NUM_CLASSES):
                        pend[c, row_in_g + r, :] = accs[2 * r + c]

            for c in range(NUM_CLASSES):
                cvec = jnp.full((L,), c, dtype=jnp.int32)
                total = jnp.zeros((L,), jnp.float32)
                for j in range(L):
                    col = plsc.load_gather(
                        pend, [cvec, lane_ids, jnp.full((L,), j, jnp.int32)]
                    )
                    total = total + col
                plsc.store_scatter(
                    obuf, [g * GROUP + lane_ids, cvec], total
                )
            return 0

        lax.fori_loop(0, RPW // GROUP, group_body, 0)
        pltpu.sync_copy(obuf, out_hbm.at[pl.ds(base, RPW)])

    return k(x_sc, W, binit)


def kernel(batch, W, b):
    b2 = b.reshape(1, NUM_CLASSES)
    binit = jnp.zeros((NUM_CLASSES, L), jnp.float32).at[:, 0].set(b)
    sc_out = _sc_linear(batch, W, binit)
    tc_out = _tc_part(batch, W, b2, SC_ROWS)
    return lax.dynamic_update_slice(tc_out, sc_out, (0, 0))

# --- scband reference (transcript-rebuilt; emitter-appended) ---
"""Pipeline reference for scband-model-69604239999375 (READ-ONLY COPY).

The authoritative reference and input builder live on the scoring server;
editing this copy changes nothing except your own understanding.
"""

import jax, jax.numpy as jnp
import numpy as np

NUM_FEATURES = 16384
NUM_CLASSES = 2
BATCH = 16384

def setup_inputs(seed: int = 0) -> dict:
    key = jax.random.key(seed)
    k1, k2, k3 = jax.random.split(key, 3)
    # Precomputed feature matrix path: forward treats tensor input as features directly
    batch = jax.random.uniform(k1, (BATCH, NUM_FEATURES), dtype=jnp.float32)
    # nn.Linear(num_features, num_classes) parameters
    bound = 1.0 / np.sqrt(NUM_FEATURES)
    W = jax.random.uniform(k2, (NUM_CLASSES, NUM_FEATURES), minval=-bound, maxval=bound, dtype=jnp.float32)
    b = jax.random.uniform(k3, (NUM_CLASSES,), minval=-bound, maxval=bound, dtype=jnp.float32)
    return {"batch": batch, "W": W, "b": b}

def reference(batch, W, b):
    # forward: tensor input -> X = batch (cast to float32); logits = X @ W.T + b
    X = batch.astype(jnp.float32)
    logits = jnp.dot(X, W.T) + b
    return logits

if __name__ == "__main__":
    import jax
    _d = setup_inputs()
    print(jax.jit(kernel)(*tuple(_d.values())))

</pallas_src>

<mosaic_0001>
#map = affine_map<(d0, d1) -> (0, 0)>
module attributes {stable_mosaic.version = 14 : i64} {
  func.func @k(%arg0: i32, %arg1: i32, %arg2: memref<16384x16384xf32, #tpu.memory_space<hbm>>, %arg3: memref<2x16384xf32, #tpu.memory_space<hbm>>, %arg4: memref<2x16xf32, #tpu.memory_space<hbm>>, %arg5: memref<2048x2xf32, #tpu.memory_space<hbm>>, %arg6: memref<2x16384xf32, #tpu.memory_space<vmem>>, %arg7: memref<2x16xf32, #tpu.memory_space<vmem>>, %arg8: memref<4x16384xf32, #tpu.memory_space<vmem>>, %arg9: memref<2x16x16xf32, #tpu.memory_space<vmem>>, %arg10: memref<64x2xf32, #tpu.memory_space<vmem>>) attributes {dimension_semantics = [#tpu.dimension_semantics<core_parallel>, #tpu.dimension_semantics<subcore_parallel>], iteration_bounds = array<i64: 2, 16>, scalar_prefetch = 0 : i64, scratch_operands = 5 : i64, tpu.core_type = #tpu.core_type<sc_vector_subcore>, window_params = [{transform_indices = #map}, {transform_indices = #map}, {transform_indices = #map}, {transform_indices = #map}]} {
    %mul3A = arith.constant 2 : i32
    %mul3A_0 = arith.muli %arg1, %mul3A : i32
    %add3A = arith.addi %mul3A_0, %arg0 : i32
    %mul3A_1 = arith.constant 64 : i32
    %mul3A_2 = arith.muli %add3A, %mul3A_1 : i32
    "tpu.region"() ({
      %run_scoped3A = tpu.sem_alloc : memref<!tpu.dma_semaphore, #tpu.memory_space<semaphore_mem>>
      tpu.enqueue_dma source(%arg3 : memref<2x16384xf32, #tpu.memory_space<hbm>>) target(%arg6 : memref<2x16384xf32, #tpu.memory_space<vmem>>) target_semaphore(%run_scoped3A : memref<!tpu.dma_semaphore, #tpu.memory_space<semaphore_mem>>)
      tpu.wait_dma2 semaphore(%run_scoped3A : memref<!tpu.dma_semaphore, #tpu.memory_space<semaphore_mem>>) src(%arg3 : memref<2x16384xf32, #tpu.memory_space<hbm>>) dst(%arg6 : memref<2x16384xf32, #tpu.memory_space<vmem>>)
      tpu.yield
    }) : () -> ()
    "tpu.region"() ({
      %run_scoped3A = tpu.sem_alloc : memref<!tpu.dma_semaphore, #tpu.memory_space<semaphore_mem>>
      tpu.enqueue_dma source(%arg4 : memref<2x16xf32, #tpu.memory_space<hbm>>) target(%arg7 : memref<2x16xf32, #tpu.memory_space<vmem>>) target_semaphore(%run_scoped3A : memref<!tpu.dma_semaphore, #tpu.memory_space<semaphore_mem>>)
      tpu.wait_dma2 semaphore(%run_scoped3A : memref<!tpu.dma_semaphore, #tpu.memory_space<semaphore_mem>>) src(%arg4 : memref<2x16xf32, #tpu.memory_space<hbm>>) dst(%arg7 : memref<2x16xf32, #tpu.memory_space<vmem>>)
      tpu.yield
    }) : () -> ()
    %iota3A = tpu.iota {dimensions = array<i32: 0>} : vector<16xi32>
    %scan3A = arith.constant 0 : i32
    %scan3A_3 = arith.constant 0 : i32
    %scan3A_4 = arith.constant 4 : i32
    %scan3A_5 = arith.addi %scan3A_3, %scan3A_4 : i32
    %scan3A_6 = arith.constant 1 : i32
    %scan3A_7 = scf.for %scan3A_9 = %scan3A_3 to %scan3A_5 step %scan3A_6 iter_args(%scan3A_10 = %scan3A) -> (i32)  : i32 {
      %mul3A_11 = arith.constant 16 : i32
      %mul3A_12 = arith.muli %scan3A_9, %mul3A_11 : i32
      %add3A_13 = arith.addi %mul3A_2, %mul3A_12 : i32
      %add3A_14 = arith.constant 0 : i32
      %add3A_15 = arith.addi %add3A_13, %add3A_14 : i32
      "tpu.region"() ({
        %run_scoped3A = tpu.sem_alloc : memref<!tpu.dma_semaphore, #tpu.memory_space<semaphore_mem>>
        %dma_start3A = arith.constant 0 : i32
        %dma_start3A_516 = tpu.memref_slice %arg2[%add3A_15, %dma_start3A] : memref<16384x16384xf32, #tpu.memory_space<hbm>> -> memref<4x16384xf32, #tpu.memory_space<hbm>>
        %dma_start3A_517 = arith.constant 0 : i32
        %dma_start3A_518 = tpu.memref_slice %arg2[%add3A_15, %dma_start3A_517] : memref<16384x16384xf32, #tpu.memory_space<hbm>> -> memref<4x16384xf32, #tpu.memory_space<hbm>>
        tpu.enqueue_dma source(%dma_start3A_518 : memref<4x16384xf32, #tpu.memory_space<hbm>>) target(%arg8 : memref<4x16384xf32, #tpu.memory_space<vmem>>) target_semaphore(%run_scoped3A : memref<!tpu.dma_semaphore, #tpu.memory_space<semaphore_mem>>)
        %dma_wait3A = arith.constant 0 : i32
        %dma_wait3A_519 = tpu.memref_slice %arg2[%add3A_15, %dma_wait3A] : memref<16384x16384xf32, #tpu.memory_space<hbm>> -> memref<4x16384xf32, #tpu.memory_space<hbm>>
        %dma_wait3A_520 = arith.constant 0 : i32
        %dma_wait3A_521 = tpu.memref_slice %arg2[%add3A_15, %dma_wait3A_520] : memref<16384x16384xf32, #tpu.memory_space<hbm>> -> memref<4x16384xf32, #tpu.memory_space<hbm>>
        tpu.wait_dma2 semaphore(%run_scoped3A : memref<!tpu.dma_semaphore, #tpu.memory_space<semaphore_mem>>) src(%dma_wait3A_521 : memref<4x16384xf32, #tpu.memory_space<hbm>>) dst(%arg8 : memref<4x16384xf32, #tpu.memory_space<vmem>>)
        tpu.yield
      }) : () -> ()
      %get3A = arith.constant 0 : i32
      %get3A_16 = arith.index_cast %get3A : i32 to index
      %get3A_17 = arith.constant 0 : index
      %get3A_18 = tpu.vector_load %arg7[%get3A_16, %get3A_17] {strides = array<i32>} : memref<2x16xf32, #tpu.memory_space<vmem>>, vector<16xf32>,
      %get3A_19 = arith.constant 1 : i32
      %get3A_20 = arith.index_cast %get3A_19 : i32 to index
      %get3A_21 = arith.constant 0 : index
      %get3A_22 = tpu.vector_load %arg7[%get3A_20, %get3A_21] {strides = array<i32>} : memref<2x16xf32, #tpu.memory_space<vmem>>, vector<16xf32>,
      %get3A_23 = arith.constant 0 : i32
      %get3A_24 = arith.index_cast %get3A_23 : i32 to index
      %get3A_25 = arith.constant 0 : index
      %get3A_26 = tpu.vector_load %arg7[%get3A_24, %get3A_25] {strides = array<i32>} : memref<2x16xf32, #tpu.memory_space<vmem>>, vector<16xf32>,
      %get3A_27 = arith.constant 1 : i32
      %get3A_28 = arith.index_cast %get3A_27 : i32 to index
      %get3A_29 = arith.constant 0 : index
      %get3A_30 = tpu.vector_load %arg7[%get3A_28, %get3A_29] {strides = array<i32>} : memref<2x16xf32, #tpu.memory_space<vmem>>, vector<16xf32>,
      %get3A_31 = arith.constant 0 : i32
      %get3A_32 = arith.index_cast %get3A_31 : i32 to index
      %get3A_33 = arith.constant 0 : index
      %get3A_34 = tpu.vector_load %arg7[%get3A_32, %get3A_33] {strides = array<i32>} : memref<2x16xf32, #tpu.memory_space<vmem>>, vector<16xf32>,
      %get3A_35 = arith.constant 1 : i32
      %get3A_36 = arith.index_cast %get3A_35 : i32 to index
      %get3A_37 = arith.constant 0 : index
      %get3A_38 = tpu.vector_load %arg7[%get3A_36, %get3A_37] {strides = array<i32>} : memref<2x16xf32, #tpu.memory_space<vmem>>, vector<16xf32>,
      %get3A_39 = arith.constant 0 : i32
      %get3A_40 = arith.index_cast %get3A_39 : i32 to index
      %get3A_41 = arith.constant 0 : index
      %get3A_42 = tpu.vector_load %arg7[%get3A_40, %get3A_41] {strides = array<i32>} : memref<2x16xf32, #tpu.memory_space<vmem>>, vector<16xf32>,
      %get3A_43 = arith.constant 1 : i32
      %get3A_44 = arith.index_cast %get3A_43 : i32 to index
      %get3A_45 = arith.constant 0 : index
      %get3A_46 = tpu.vector_load %arg7[%get3A_44, %get3A_45] {strides = array<i32>} : memref<2x16xf32, #tpu.memory_space<vmem>>, vector<16xf32>,
      %scan3A_47 = arith.constant 0 : i32
      %scan3A_48 = arith.constant 1024 : i32
      %scan3A_49 = arith.addi %scan3A_47, %scan3A_48 : i32
      %scan3A_50 = arith.constant 1 : i32
      %scan3A_51:8 = scf.for %scan3A_516 = %scan3A_47 to %scan3A_49 step %scan3A_50 iter_args(%scan3A_517 = %get3A_18, %scan3A_518 = %get3A_22, %scan3A_519 = %get3A_26, %scan3A_520 = %get3A_30, %scan3A_521 = %get3A_34, %scan3A_522 = %get3A_38, %scan3A_523 = %get3A_42, %scan3A_524 = %get3A_46) -> (vector<16xf32>, vector<16xf32>, vector<16xf32>, vector<16xf32>, vector<16xf32>, vector<16xf32>, vector<16xf32>, vector<16xf32>)  : i32 {
        %mul3A_525 = arith.constant 16 : i32
        %mul3A_526 = arith.muli %scan3A_516, %mul3A_525 : i32
        %get3A_527 = arith.constant 0 : i32
        %get3A_528 = arith.index_cast %get3A_527 : i32 to index
        %get3A_529 = arith.index_cast %mul3A_526 : i32 to index
        %get3A_530 = tpu.vector_load %arg6[%get3A_528, %get3A_529] {strides = array<i32>} : memref<2x16384xf32, #tpu.memory_space<vmem>>, vector<16xf32>,
        %get3A_531 = arith.constant 1 : i32
        %get3A_532 = arith.index_cast %get3A_531 : i32 to index
        %get3A_533 = arith.index_cast %mul3A_526 : i32 to index
        %get3A_534 = tpu.vector_load %arg6[%get3A_532, %get3A_533] {strides = array<i32>} : memref<2x16384xf32, #tpu.memory_space<vmem>>, vector<16xf32>,
        %get3A_535 = arith.constant 0 : i32
        %get3A_536 = arith.index_cast %get3A_535 : i32 to index
        %get3A_537 = arith.index_cast %mul3A_526 : i32 to index
        %get3A_538 = tpu.vector_load %arg8[%get3A_536, %get3A_537] {strides = array<i32>} : memref<4x16384xf32, #tpu.memory_space<vmem>>, vector<16xf32>,
        %mul3A_539 = arith.mulf %get3A_538, %get3A_530 : vector<16xf32>
        %add3A_540 = arith.addf %scan3A_517, %mul3A_539 : vector<16xf32>
        %mul3A_541 = arith.mulf %get3A_538, %get3A_534 : vector<16xf32>
        %add3A_542 = arith.addf %scan3A_518, %mul3A_541 : vector<16xf32>
        %get3A_543 = arith.constant 1 : i32
        %get3A_544 = arith.index_cast %get3A_543 : i32 to index
        %get3A_545 = arith.index_cast %mul3A_526 : i32 to index
        %get3A_546 = tpu.vector_load %arg8[%get3A_544, %get3A_545] {strides = array<i32>} : memref<4x16384xf32, #tpu.memory_space<vmem>>, vector<16xf32>,
        %mul3A_547 = arith.mulf %get3A_546, %get3A_530 : vector<16xf32>
        %add3A_548 = arith.addf %scan3A_519, %mul3A_547 : vector<16xf32>
        %mul3A_549 = arith.mulf %get3A_546, %get3A_534 : vector<16xf32>
        %add3A_550 = arith.addf %scan3A_520, %mul3A_549 : vector<16xf32>
        %get3A_551 = arith.constant 2 : i32
        %get3A_552 = arith.index_cast %get3A_551 : i32 to index
        %get3A_553 = arith.index_cast %mul3A_526 : i32 to index
        %get3A_554 = tpu.vector_load %arg8[%get3A_552, %get3A_553] {strides = array<i32>} : memref<4x16384xf32, #tpu.memory_space<vmem>>, vector<16xf32>,
        %mul3A_555 = arith.mulf %get3A_554, %get3A_530 : vector<16xf32>
        %add3A_556 = arith.addf %scan3A_521, %mul3A_555 : vector<16xf32>
        %mul3A_557 = arith.mulf %get3A_554, %get3A_534 : vector<16xf32>
        %add3A_558 = arith.addf %scan3A_522, %mul3A_557 : vector<16xf32>
        %get3A_559 = arith.constant 3 : i32
        %get3A_560 = arith.index_cast %get3A_559 : i32 to index
        %get3A_561 = arith.index_cast %mul3A_526 : i32 to index
        %get3A_562 = tpu.vector_load %arg8[%get3A_560, %get3A_561] {strides = array<i32>} : memref<4x16384xf32, #tpu.memory_space<vmem>>, vector<16xf32>,
        %mul3A_563 = arith.mulf %get3A_562, %get3A_530 : vector<16xf32>
        %add3A_564 = arith.addf %scan3A_523, %mul3A_563 : vector<16xf32>
        %mul3A_565 = arith.mulf %get3A_562, %get3A_534 : vector<16xf32>
        %add3A_566 = arith.addf %scan3A_524, %mul3A_565 : vector<16xf32>
        scf.yield %add3A_540, %add3A_542, %add3A_548, %add3A_550, %add3A_556, %add3A_558, %add3A_564, %add3A_566 : vector<16xf32>, vector<16xf32>, vector<16xf32>, vector<16xf32>, vector<16xf32>, vector<16xf32>, vector<16xf32>, vector<16xf32>
      }
      %scan3A_52 = arith.constant 1024 : i32
      %swap3A = arith.constant 0 : i32
      %swap3A_53 = arith.constant 0 : i32
      %swap3A_54 = arith.index_cast %swap3A : i32 to index
      %swap3A_55 = arith.index_cast %swap3A_53 : i32 to index
      %swap3A_56 = arith.constant 0 : index
      %swap3A_57 = tpu.vector_load %arg9[%swap3A_54, %swap3A_55, %swap3A_56] {strides = array<i32>} : memref<2x16x16xf32, #tpu.memory_space<vmem>>, vector<16xf32>,
      tpu.vector_store %arg9[%swap3A_54, %swap3A_55, %swap3A_56], %scan3A_51#0 {strides = array<i32>} : memref<2x16x16xf32, #tpu.memory_space<vmem>>, vector<16xf32>,
      %swap3A_58 = arith.constant 1 : i32
      %swap3A_59 = arith.constant 0 : i32
      %swap3A_60 = arith.index_cast %swap3A_58 : i32 to index
      %swap3A_61 = arith.index_cast %swap3A_59 : i32 to index
      %swap3A_62 = arith.constant 0 : index
      %swap3A_63 = tpu.vector_load %arg9[%swap3A_60, %swap3A_61, %swap3A_62] {strides = array<i32>} : memref<2x16x16xf32, #tpu.memory_space<vmem>>, vector<16xf32>,
      tpu.vector_store %arg9[%swap3A_60, %swap3A_61, %swap3A_62], %scan3A_51#1 {strides = array<i32>} : memref<2x16x16xf32, #tpu.memory_space<vmem>>, vector<16xf32>,
      %swap3A_64 = arith.constant 0 : i32
      %swap3A_65 = arith.constant 1 : i32
      %swap3A_66 = arith.index_cast %swap3A_64 : i32 to index
      %swap3A_67 = arith.index_cast %swap3A_65 : i32 to index
      %swap3A_68 = arith.constant 0 : index
      %swap3A_69 = tpu.vector_load %arg9[%swap3A_66, %swap3A_67, %swap3A_68] {strides = array<i32>} : memref<2x16x16xf32, #tpu.memory_space<vmem>>, vector<16xf32>,
      tpu.vector_store %arg9[%swap3A_66, %swap3A_67, %swap3A_68], %scan3A_51#2 {strides = array<i32>} : memref<2x16x16xf32, #tpu.memory_space<vmem>>, vector<16xf32>,
      %swap3A_70 = arith.constant 1 : i32
      %swap3A_71 = arith.constant 1 : i32
      %swap3A_72 = arith.index_cast %swap3A_70 : i32 to index
      %swap3A_73 = arith.index_cast %swap3A_71 : i32 to index
      %swap3A_74 = arith.constant 0 : index
      %swap3A_75 = tpu.vector_load %arg9[%swap3A_72, %swap3A_73, %swap3A_74] {strides = array<i32>} : memref<2x16x16xf32, #tpu.memory_space<vmem>>, vector<16xf32>,
      tpu.vector_store %arg9[%swap3A_72, %swap3A_73, %swap3A_74], %scan3A_51#3 {strides = array<i32>} : memref<2x16x16xf32, #tpu.memory_space<vmem>>, vector<16xf32>,
      %swap3A_76 = arith.constant 0 : i32
      %swap3A_77 = arith.constant 2 : i32
      %swap3A_78 = arith.index_cast %swap3A_76 : i32 to index
      %swap3A_79 = arith.index_cast %swap3A_77 : i32 to index
      %swap3A_80 = arith.constant 0 : index
      %swap3A_81 = tpu.vector_load %arg9[%swap3A_78, %swap3A_79, %swap3A_80] {strides = array<i32>} : memref<2x16x16xf32, #tpu.memory_space<vmem>>, vector<16xf32>,
      tpu.vector_store %arg9[%swap3A_78, %swap3A_79, %swap3A_80], %scan3A_51#4 {strides = array<i32>} : memref<2x16x16xf32, #tpu.memory_space<vmem>>, vector<16xf32>,
      %swap3A_82 = arith.constant 1 : i32
      %swap3A_83 = arith.constant 2 : i32
      %swap3A_84 = arith.index_cast %swap3A_82 : i32 to index
      %swap3A_85 = arith.index_cast %swap3A_83 : i32 to index
      %swap3A_86 = arith.constant 0 : index
      %swap3A_87 = tpu.vector_load %arg9[%swap3A_84, %swap3A_85, %swap3A_86] {strides = array<i32>} : memref<2x16x16xf32, #tpu.memory_space<vmem>>, vector<16xf32>,
      tpu.vector_store %arg9[%swap3A_84, %swap3A_85, %swap3A_86], %scan3A_51#5 {strides = array<i32>} : memref<2x16x16xf32, #tpu.memory_space<vmem>>, vector<16xf32>,
      %swap3A_88 = arith.constant 0 : i32
      %swap3A_89 = arith.constant 3 : i32
      %swap3A_90 = arith.index_cast %swap3A_88 : i32 to index
      %swap3A_91 = arith.index_cast %swap3A_89 : i32 to index
      %swap3A_92 = arith.constant 0 : index
      %swap3A_93 = tpu.vector_load %arg9[%swap3A_90, %swap3A_91, %swap3A_92] {strides = array<i32>} : memref<2x16x16xf32, #tpu.memory_space<vmem>>, vector<16xf32>,
      tpu.vector_store %arg9[%swap3A_90, %swap3A_91, %swap3A_92], %scan3A_51#6 {strides = array<i32>} : memref<2x16x16xf32, #tpu.memory_space<vmem>>, vector<16xf32>,
      %swap3A_94 = arith.constant 1 : i32
      %swap3A_95 = arith.constant 3 : i32
      %swap3A_96 = arith.index_cast %swap3A_94 : i32 to index
      %swap3A_97 = arith.index_cast %swap3A_95 : i32 to index
      %swap3A_98 = arith.constant 0 : index
      %swap3A_99 = tpu.vector_load %arg9[%swap3A_96, %swap3A_97, %swap3A_98] {strides = array<i32>} : memref<2x16x16xf32, #tpu.memory_space<vmem>>, vector<16xf32>,
      tpu.vector_store %arg9[%swap3A_96, %swap3A_97, %swap3A_98], %scan3A_51#7 {strides = array<i32>} : memref<2x16x16xf32, #tpu.memory_space<vmem>>, vector<16xf32>,
      %mul3A_100 = arith.constant 16 : i32
      %mul3A_101 = arith.muli %scan3A_9, %mul3A_100 : i32
      %add3A_102 = arith.addi %mul3A_2, %mul3A_101 : i32
      %add3A_103 = arith.constant 4 : i32
      %add3A_104 = arith.addi %add3A_102, %add3A_103 : i32
      "tpu.region"() ({
        %run_scoped3A = tpu.sem_alloc : memref<!tpu.dma_semaphore, #tpu.memory_space<semaphore_mem>>
        %dma_start3A = arith.constant 0 : i32
        %dma_start3A_516 = tpu.memref_slice %arg2[%add3A_104, %dma_start3A] : memref<16384x16384xf32, #tpu.memory_space<hbm>> -> memref<4x16384xf32, #tpu.memory_space<hbm>>
        %dma_start3A_517 = arith.constant 0 : i32
        %dma_start3A_518 = tpu.memref_slice %arg2[%add3A_104, %dma_start3A_517] : memref<16384x16384xf32, #tpu.memory_space<hbm>> -> memref<4x16384xf32, #tpu.memory_space<hbm>>
        tpu.enqueue_dma source(%dma_start3A_518 : memref<4x16384xf32, #tpu.memory_space<hbm>>) target(%arg8 : memref<4x16384xf32, #tpu.memory_space<vmem>>) target_semaphore(%run_scoped3A : memref<!tpu.dma_semaphore, #tpu.memory_space<semaphore_mem>>)
        %dma_wait3A = arith.constant 0 : i32
        %dma_wait3A_519 = tpu.memref_slice %arg2[%add3A_104, %dma_wait3A] : memref<16384x16384xf32, #tpu.memory_space<hbm>> -> memref<4x16384xf32, #tpu.memory_space<hbm>>
        %dma_wait3A_520 = arith.constant 0 : i32
        %dma_wait3A_521 = tpu.memref_slice %arg2[%add3A_104, %dma_wait3A_520] : memref<16384x16384xf32, #tpu.memory_space<hbm>> -> memref<4x16384xf32, #tpu.memory_space<hbm>>
        tpu.wait_dma2 semaphore(%run_scoped3A : memref<!tpu.dma_semaphore, #tpu.memory_space<semaphore_mem>>) src(%dma_wait3A_521 : memref<4x16384xf32, #tpu.memory_space<hbm>>) dst(%arg8 : memref<4x16384xf32, #tpu.memory_space<vmem>>)
        tpu.yield
      }) : () -> ()
      %get3A_105 = arith.constant 0 : i32
      %get3A_106 = arith.index_cast %get3A_105 : i32 to index
      %get3A_107 = arith.constant 0 : index
      %get3A_108 = tpu.vector_load %arg7[%get3A_106, %get3A_107] {strides = array<i32>} : memref<2x16xf32, #tpu.memory_space<vmem>>, vector<16xf32>,
      %get3A_109 = arith.constant 1 : i32
      %get3A_110 = arith.index_cast %get3A_109 : i32 to index
      %get3A_111 = arith.constant 0 : index
      %get3A_112 = tpu.vector_load %arg7[%get3A_110, %get3A_111] {strides = array<i32>} : memref<2x16xf32, #tpu.memory_space<vmem>>, vector<16xf32>,
      %get3A_113 = arith.constant 0 : i32
      %get3A_114 = arith.index_cast %get3A_113 : i32 to index
      %get3A_115 = arith.constant 0 : index
      %get3A_116 = tpu.vector_load %arg7[%get3A_114, %get3A_115] {strides = array<i32>} : memref<2x16xf32, #tpu.memory_space<vmem>>, vector<16xf32>,
      %get3A_117 = arith.constant 1 : i32
      %get3A_118 = arith.index_cast %get3A_117 : i32 to index
      %get3A_119 = arith.constant 0 : index
      %get3A_120 = tpu.vector_load %arg7[%get3A_118, %get3A_119] {strides = array<i32>} : memref<2x16xf32, #tpu.memory_space<vmem>>, vector<16xf32>,
      %get3A_121 = arith.constant 0 : i32
      %get3A_122 = arith.index_cast %get3A_121 : i32 to index
      %get3A_123 = arith.constant 0 : index
      %get3A_124 = tpu.vector_load %arg7[%get3A_122, %get3A_123] {strides = array<i32>} : memref<2x16xf32, #tpu.memory_space<vmem>>, vector<16xf32>,
      %get3A_125 = arith.constant 1 : i32
      %get3A_126 = arith.index_cast %get3A_125 : i32 to index
      %get3A_127 = arith.constant 0 : index
      %get3A_128 = tpu.vector_load %arg7[%get3A_126, %get3A_127] {strides = array<i32>} : memref<2x16xf32, #tpu.memory_space<vmem>>, vector<16xf32>,
      %get3A_129 = arith.constant 0 : i32
      %get3A_130 = arith.index_cast %get3A_129 : i32 to index
      %get3A_131 = arith.constant 0 : index
      %get3A_132 = tpu.vector_load %arg7[%get3A_130, %get3A_131] {strides = array<i32>} : memref<2x16xf32, #tpu.memory_space<vmem>>, vector<16xf32>,
      %get3A_133 = arith.constant 1 : i32
      %get3A_134 = arith.index_cast %get3A_133 : i32 to index
      %get3A_135 = arith.constant 0 : index
      %get3A_136 = tpu.vector_load %arg7[%get3A_134, %get3A_135] {strides = array<i32>} : memref<2x16xf32, #tpu.memory_space<vmem>>, vector<16xf32>,
      %scan3A_137 = arith.constant 0 : i32
      %scan3A_138 = arith.constant 1024 : i32
      %scan3A_139 = arith.addi %scan3A_137, %scan3A_138 : i32
      %scan3A_140 = arith.constant 1 : i32
      %scan3A_141:8 = scf.for %scan3A_516 = %scan3A_137 to %scan3A_139 step %scan3A_140 iter_args(%scan3A_517 = %get3A_108, %scan3A_518 = %get3A_112, %scan3A_519 = %get3A_116, %scan3A_520 = %get3A_120, %scan3A_521 = %get3A_124, %scan3A_522 = %get3A_128, %scan3A_523 = %get3A_132, %scan3A_524 = %get3A_136) -> (vector<16xf32>, vector<16xf32>, vector<16xf32>, vector<16xf32>, vector<16xf32>, vector<16xf32>, vector<16xf32>, vector<16xf32>)  : i32 {
        %mul3A_525 = arith.constant 16 : i32
        %mul3A_526 = arith.muli %scan3A_516, %mul3A_525 : i32
        %get3A_527 = arith.constant 0 : i32
        %get3A_528 = arith.index_cast %get3A_527 : i32 to index
        %get3A_529 = arith.index_cast %mul3A_526 : i32 to index
        %get3A_530 = tpu.vector_load %arg6[%get3A_528, %get3A_529] {strides = array<i32>} : memref<2x16384xf32, #tpu.memory_space<vmem>>, vector<16xf32>,
        %get3A_531 = arith.constant 1 : i32
        %get3A_532 = arith.index_cast %get3A_531 : i32 to index
        %get3A_533 = arith.index_cast %mul3A_526 : i32 to index
        %get3A_534 = tpu.vector_load %arg6[%get3A_532, %get3A_533] {strides = array<i32>} : memref<2x16384xf32, #tpu.memory_space<vmem>>, vector<16xf32>,
        %get3A_535 = arith.constant 0 : i32
        %get3A_536 = arith.index_cast %get3A_535 : i32 to index
        %get3A_537 = arith.index_cast %mul3A_526 : i32 to index
        %get3A_538 = tpu.vector_load %arg8[%get3A_536, %get3A_537] {strides = array<i32>} : memref<4x16384xf32, #tpu.memory_space<vmem>>, vector<16xf32>,
        %mul3A_539 = arith.mulf %get3A_538, %get3A_530 : vector<16xf32>
        %add3A_540 = arith.addf %scan3A_517, %mul3A_539 : vector<16xf32>
        %mul3A_541 = arith.mulf %get3A_538, %get3A_534 : vector<16xf32>
        %add3A_542 = arith.addf %scan3A_518, %mul3A_541 : vector<16xf32>
        %get3A_543 = arith.constant 1 : i32
        %get3A_544 = arith.index_cast %get3A_543 : i32 to index
        %get3A_545 = arith.index_cast %mul3A_526 : i32 to index
        %get3A_546 = tpu.vector_load %arg8[%get3A_544, %get3A_545] {strides = array<i32>} : memref<4x16384xf32, #tpu.memory_space<vmem>>, vector<16xf32>,
        %mul3A_547 = arith.mulf %get3A_546, %get3A_530 : vector<16xf32>
        %add3A_548 = arith.addf %scan3A_519, %mul3A_547 : vector<16xf32>
        %mul3A_549 = arith.mulf %get3A_546, %get3A_534 : vector<16xf32>
        %add3A_550 = arith.addf %scan3A_520, %mul3A_549 : vector<16xf32>
        %get3A_551 = arith.constant 2 : i32
        %get3A_552 = arith.index_cast %get3A_551 : i32 to index
        %get3A_553 = arith.index_cast %mul3A_526 : i32 to index
        %get3A_554 = tpu.vector_load %arg8[%get3A_552, %get3A_553] {strides = array<i32>} : memref<4x16384xf32, #tpu.memory_space<vmem>>, vector<16xf32>,
        %mul3A_555 = arith.mulf %get3A_554, %get3A_530 : vector<16xf32>
        %add3A_556 = arith.addf %scan3A_521, %mul3A_555 : vector<16xf32>
        %mul3A_557 = arith.mulf %get3A_554, %get3A_534 : vector<16xf32>
        %add3A_558 = arith.addf %scan3A_522, %mul3A_557 : vector<16xf32>
        %get3A_559 = arith.constant 3 : i32
        %get3A_560 = arith.index_cast %get3A_559 : i32 to index
        %get3A_561 = arith.index_cast %mul3A_526 : i32 to index
        %get3A_562 = tpu.vector_load %arg8[%get3A_560, %get3A_561] {strides = array<i32>} : memref<4x16384xf32, #tpu.memory_space<vmem>>, vector<16xf32>,
        %mul3A_563 = arith.mulf %get3A_562, %get3A_530 : vector<16xf32>
        %add3A_564 = arith.addf %scan3A_523, %mul3A_563 : vector<16xf32>
        %mul3A_565 = arith.mulf %get3A_562, %get3A_534 : vector<16xf32>
        %add3A_566 = arith.addf %scan3A_524, %mul3A_565 : vector<16xf32>
        scf.yield %add3A_540, %add3A_542, %add3A_548, %add3A_550, %add3A_556, %add3A_558, %add3A_564, %add3A_566 : vector<16xf32>, vector<16xf32>, vector<16xf32>, vector<16xf32>, vector<16xf32>, vector<16xf32>, vector<16xf32>, vector<16xf32>
      }
      %scan3A_142 = arith.constant 1024 : i32
      %swap3A_143 = arith.constant 0 : i32
      %swap3A_144 = arith.constant 4 : i32
      %swap3A_145 = arith.index_cast %swap3A_143 : i32 to index
      %swap3A_146 = arith.index_cast %swap3A_144 : i32 to index
      %swap3A_147 = arith.constant 0 : index
      %swap3A_148 = tpu.vector_load %arg9[%swap3A_145, %swap3A_146, %swap3A_147] {strides = array<i32>} : memref<2x16x16xf32, #tpu.memory_space<vmem>>, vector<16xf32>,
      tpu.vector_store %arg9[%swap3A_145, %swap3A_146, %swap3A_147], %scan3A_141#0 {strides = array<i32>} : memref<2x16x16xf32, #tpu.memory_space<vmem>>, vector<16xf32>,
      %swap3A_149 = arith.constant 1 : i32
      %swap3A_150 = arith.constant 4 : i32
      %swap3A_151 = arith.index_cast %swap3A_149 : i32 to index
      %swap3A_152 = arith.index_cast %swap3A_150 : i32 to index
      %swap3A_153 = arith.constant 0 : index
      %swap3A_154 = tpu.vector_load %arg9[%swap3A_151, %swap3A_152, %swap3A_153] {strides = array<i32>} : memref<2x16x16xf32, #tpu.memory_space<vmem>>, vector<16xf32>,
      tpu.vector_store %arg9[%swap3A_151, %swap3A_152, %swap3A_153], %scan3A_141#1 {strides = array<i32>} : memref<2x16x16xf32, #tpu.memory_space<vmem>>, vector<16xf32>,
      %swap3A_155 = arith.constant 0 : i32
      %swap3A_156 = arith.constant 5 : i32
      %swap3A_157 = arith.index_cast %swap3A_155 : i32 to index
      %swap3A_158 = arith.index_cast %swap3A_156 : i32 to index
      %swap3A_159 = arith.constant 0 : index
      %swap3A_160 = tpu.vector_load %arg9[%swap3A_157, %swap3A_158, %swap3A_159] {strides = array<i32>} : memref<2x16x16xf32, #tpu.memory_space<vmem>>, vector<16xf32>,
      tpu.vector_store %arg9[%swap3A_157, %swap3A_158, %swap3A_159], %scan3A_141#2 {strides = array<i32>} : memref<2x16x16xf32, #tpu.memory_space<vmem>>, vector<16xf32>,
      %swap3A_161 = arith.constant 1 : i32
      %swap3A_162 = arith.constant 5 : i32
      %swap3A_163 = arith.index_cast %swap3A_161 : i32 to index
      %swap3A_164 = arith.index_cast %swap3A_162 : i32 to index
      %swap3A_165 = arith.constant 0 : index
      %swap3A_166 = tpu.vector_load %arg9[%swap3A_163, %swap3A_164, %swap3A_165] {strides = array<i32>} : memref<2x16x16xf32, #tpu.memory_space<vmem>>, vector<16xf32>,
      tpu.vector_store %arg9[%swap3A_163, %swap3A_164, %swap3A_165], %scan3A_141#3 {strides = array<i32>} : memref<2x16x16xf32, #tpu.memory_space<vmem>>, vector<16xf32>,
      %swap3A_167 = arith.constant 0 : i32
      %swap3A_168 = arith.constant 6 : i32
      %swap3A_169 = arith.index_cast %swap3A_167 : i32 to index
      %swap3A_170 = arith.index_cast %swap3A_168 : i32 to index
      %swap3A_171 = arith.constant 0 : index
      %swap3A_172 = tpu.vector_load %arg9[%swap3A_169, %swap3A_170, %swap3A_171] {strides = array<i32>} : memref<2x16x16xf32, #tpu.memory_space<vmem>>, vector<16xf32>,
      tpu.vector_store %arg9[%swap3A_169, %swap3A_170, %swap3A_171], %scan3A_141#4 {strides = array<i32>} : memref<2x16x16xf32, #tpu.memory_space<vmem>>, vector<16xf32>,
      %swap3A_173 = arith.constant 1 : i32
      %swap3A_174 = arith.constant 6 : i32
      %swap3A_175 = arith.index_cast %swap3A_173 : i32 to index
      %swap3A_176 = arith.index_cast %swap3A_174 : i32 to index
      %swap3A_177 = arith.constant 0 : index
      %swap3A_178 = tpu.vector_load %arg9[%swap3A_175, %swap3A_176, %swap3A_177] {strides = array<i32>} : memref<2x16x16xf32, #tpu.memory_space<vmem>>, vector<16xf32>,
      tpu.vector_store %arg9[%swap3A_175, %swap3A_176, %swap3A_177], %scan3A_141#5 {strides = array<i32>} : memref<2x16x16xf32, #tpu.memory_space<vmem>>, vector<16xf32>,
      %swap3A_179 = arith.constant 0 : i32
      %swap3A_180 = arith.constant 7 : i32
      %swap3A_181 = arith.index_cast %swap3A_179 : i32 to index
      %swap3A_182 = arith.index_cast %swap3A_180 : i32 to index
      %swap3A_183 = arith.constant 0 : index
      %swap3A_184 = tpu.vector_load %arg9[%swap3A_181, %swap3A_182, %swap3A_183] {strides = array<i32>} : memref<2x16x16xf32, #tpu.memory_space<vmem>>, vector<16xf32>,
      tpu.vector_store %arg9[%swap3A_181, %swap3A_182, %swap3A_183], %scan3A_141#6 {strides = array<i32>} : memref<2x16x16xf32, #tpu.memory_space<vmem>>, vector<16xf32>,
      %swap3A_185 = arith.constant 1 : i32
      %swap3A_186 = arith.constant 7 : i32
      %swap3A_187 = arith.index_cast %swap3A_185 : i32 to index
      %swap3A_188 = arith.index_cast %swap3A_186 : i32 to index
      %swap3A_189 = arith.constant 0 : index
      %swap3A_190 = tpu.vector_load %arg9[%swap3A_187, %swap3A_188, %swap3A_189] {strides = array<i32>} : memref<2x16x16xf32, #tpu.memory_space<vmem>>, vector<16xf32>,
      tpu.vector_store %arg9[%swap3A_187, %swap3A_188, %swap3A_189], %scan3A_141#7 {strides = array<i32>} : memref<2x16x16xf32, #tpu.memory_space<vmem>>, vector<16xf32>,
      %mul3A_191 = arith.constant 16 : i32
      %mul3A_192 = arith.muli %scan3A_9, %mul3A_191 : i32
      %add3A_193 = arith.addi %mul3A_2, %mul3A_192 : i32
      %add3A_194 = arith.constant 8 : i32
      %add3A_195 = arith.addi %add3A_193, %add3A_194 : i32
      "tpu.region"() ({
        %run_scoped3A = tpu.sem_alloc : memref<!tpu.dma_semaphore, #tpu.memory_space<semaphore_mem>>
        %dma_start3A = arith.constant 0 : i32
        %dma_start3A_516 = tpu.memref_slice %arg2[%add3A_195, %dma_start3A] : memref<16384x16384xf32, #tpu.memory_space<hbm>> -> memref<4x16384xf32, #tpu.memory_space<hbm>>
        %dma_start3A_517 = arith.constant 0 : i32
        %dma_start3A_518 = tpu.memref_slice %arg2[%add3A_195, %dma_start3A_517] : memref<16384x16384xf32, #tpu.memory_space<hbm>> -> memref<4x16384xf32, #tpu.memory_space<hbm>>
        tpu.enqueue_dma source(%dma_start3A_518 : memref<4x16384xf32, #tpu.memory_space<hbm>>) target(%arg8 : memref<4x16384xf32, #tpu.memory_space<vmem>>) target_semaphore(%run_scoped3A : memref<!tpu.dma_semaphore, #tpu.memory_space<semaphore_mem>>)
        %dma_wait3A = arith.constant 0 : i32
        %dma_wait3A_519 = tpu.memref_slice %arg2[%add3A_195, %dma_wait3A] : memref<16384x16384xf32, #tpu.memory_space<hbm>> -> memref<4x16384xf32, #tpu.memory_space<hbm>>
        %dma_wait3A_520 = arith.constant 0 : i32
        %dma_wait3A_521 = tpu.memref_slice %arg2[%add3A_195, %dma_wait3A_520] : memref<16384x16384xf32, #tpu.memory_space<hbm>> -> memref<4x16384xf32, #tpu.memory_space<hbm>>
        tpu.wait_dma2 semaphore(%run_scoped3A : memref<!tpu.dma_semaphore, #tpu.memory_space<semaphore_mem>>) src(%dma_wait3A_521 : memref<4x16384xf32, #tpu.memory_space<hbm>>) dst(%arg8 : memref<4x16384xf32, #tpu.memory_space<vmem>>)
        tpu.yield
      }) : () -> ()
      %get3A_196 = arith.constant 0 : i32
      %get3A_197 = arith.index_cast %get3A_196 : i32 to index
      %get3A_198 = arith.constant 0 : index
      %get3A_199 = tpu.vector_load %arg7[%get3A_197, %get3A_198] {strides = array<i32>} : memref<2x16xf32, #tpu.memory_space<vmem>>, vector<16xf32>,
      %get3A_200 = arith.constant 1 : i32
      %get3A_201 = arith.index_cast %get3A_200 : i32 to index
      %get3A_202 = arith.constant 0 : index
      %get3A_203 = tpu.vector_load %arg7[%get3A_201, %get3A_202] {strides = array<i32>} : memref<2x16xf32, #tpu.memory_space<vmem>>, vector<16xf32>,
      %get3A_204 = arith.constant 0 : i32
      %get3A_205 = arith.index_cast %get3A_204 : i32 to index
      %get3A_206 = arith.constant 0 : index
      %get3A_207 = tpu.vector_load %arg7[%get3A_205, %get3A_206] {strides = array<i32>} : memref<2x16xf32, #tpu.memory_space<vmem>>, vector<16xf32>,
      %get3A_208 = arith.constant 1 : i32
      %get3A_209 = arith.index_cast %get3A_208 : i32 to index
      %get3A_210 = arith.constant 0 : index
      %get3A_211 = tpu.vector_load %arg7[%get3A_209, %get3A_210] {strides = array<i32>} : memref<2x16xf32, #tpu.memory_space<vmem>>, vector<16xf32>,
      %get3A_212 = arith.constant 0 : i32
      %get3A_213 = arith.index_cast %get3A_212 : i32 to index
      %get3A_214 = arith.constant 0 : index
      %get3A_215 = tpu.vector_load %arg7[%get3A_213, %get3A_214] {strides = array<i32>} : memref<2x16xf32, #tpu.memory_space<vmem>>, vector<16xf32>,
      %get3A_216 = arith.constant 1 : i32
      %get3A_217 = arith.index_cast %get3A_216 : i32 to index
      %get3A_218 = arith.constant 0 : index
      %get3A_219 = tpu.vector_load %arg7[%get3A_217, %get3A_218] {strides = array<i32>} : memref<2x16xf32, #tpu.memory_space<vmem>>, vector<16xf32>,
      %get3A_220 = arith.constant 0 : i32
      %get3A_221 = arith.index_cast %get3A_220 : i32 to index
      %get3A_222 = arith.constant 0 : index
      %get3A_223 = tpu.vector_load %arg7[%get3A_221, %get3A_222] {strides = array<i32>} : memref<2x16xf32, #tpu.memory_space<vmem>>, vector<16xf32>,
      %get3A_224 = arith.constant 1 : i32
      %get3A_225 = arith.index_cast %get3A_224 : i32 to index
      %get3A_226 = arith.constant 0 : index
      %get3A_227 = tpu.vector_load %arg7[%get3A_225, %get3A_226] {strides = array<i32>} : memref<2x16xf32, #tpu.memory_space<vmem>>, vector<16xf32>,
      %scan3A_228 = arith.constant 0 : i32
      %scan3A_229 = arith.constant 1024 : i32
      %scan3A_230 = arith.addi %scan3A_228, %scan3A_229 : i32
      %scan3A_231 = arith.constant 1 : i32
      %scan3A_232:8 = scf.for %scan3A_516 = %scan3A_228 to %scan3A_230 step %scan3A_231 iter_args(%scan3A_517 = %get3A_199, %scan3A_518 = %get3A_203, %scan3A_519 = %get3A_207, %scan3A_520 = %get3A_211, %scan3A_521 = %get3A_215, %scan3A_522 = %get3A_219, %scan3A_523 = %get3A_223, %scan3A_524 = %get3A_227) -> (vector<16xf32>, vector<16xf32>, vector<16xf32>, vector<16xf32>, vector<16xf32>, vector<16xf32>, vector<16xf32>, vector<16xf32>)  : i32 {
        %mul3A_525 = arith.constant 16 : i32
        %mul3A_526 = arith.muli %scan3A_516, %mul3A_525 : i32
        %get3A_527 = arith.constant 0 : i32
        %get3A_528 = arith.index_cast %get3A_527 : i32 to index
        %get3A_529 = arith.index_cast %mul3A_526 : i32 to index
        %get3A_530 = tpu.vector_load %arg6[%get3A_528, %get3A_529] {strides = array<i32>} : memref<2x16384xf32, #tpu.memory_space<vmem>>, vector<16xf32>,
        %get3A_531 = arith.constant 1 : i32
        %get3A_532 = arith.index_cast %get3A_531 : i32 to index
        %get3A_533 = arith.index_cast %mul3A_526 : i32 to index
        %get3A_534 = tpu.vector_load %arg6[%get3A_532, %get3A_533] {strides = array<i32>} : memref<2x16384xf32, #tpu.memory_space<vmem>>, vector<16xf32>,
        %get3A_535 = arith.constant 0 : i32
        %get3A_536 = arith.index_cast %get3A_535 : i32 to index
        %get3A_537 = arith.index_cast %mul3A_526 : i32 to index
        %get3A_538 = tpu.vector_load %arg8[%get3A_536, %get3A_537] {strides = array<i32>} : memref<4x16384xf32, #tpu.memory_space<vmem>>, vector<16xf32>,
        %mul3A_539 = arith.mulf %get3A_538, %get3A_530 : vector<16xf32>
        %add3A_540 = arith.addf %scan3A_517, %mul3A_539 : vector<16xf32>
        %mul3A_541 = arith.mulf %get3A_538, %get3A_534 : vector<16xf32>
        %add3A_542 = arith.addf %scan3A_518, %mul3A_541 : vector<16xf32>
        %get3A_543 = arith.constant 1 : i32
        %get3A_544 = arith.index_cast %get3A_543 : i32 to index
        %get3A_545 = arith.index_cast %mul3A_526 : i32 to index
        %get3A_546 = tpu.vector_load %arg8[%get3A_544, %get3A_545] {strides = array<i32>} : memref<4x16384xf32, #tpu.memory_space<vmem>>, vector<16xf32>,
        %mul3A_547 = arith.mulf %get3A_546, %get3A_530 : vector<16xf32>
        %add3A_548 = arith.addf %scan3A_519, %mul3A_547 : vector<16xf32>
        %mul3A_549 = arith.mulf %get3A_546, %get3A_534 : vector<16xf32>
        %add3A_550 = arith.addf %scan3A_520, %mul3A_549 : vector<16xf32>
        %get3A_551 = arith.constant 2 : i32
        %get3A_552 = arith.index_cast %get3A_551 : i32 to index
        %get3A_553 = arith.index_cast %mul3A_526 : i32 to index
        %get3A_554 = tpu.vector_load %arg8[%get3A_552, %get3A_553] {strides = array<i32>} : memref<4x16384xf32, #tpu.memory_space<vmem>>, vector<16xf32>,
        %mul3A_555 = arith.mulf %get3A_554, %get3A_530 : vector<16xf32>
        %add3A_556 = arith.addf %scan3A_521, %mul3A_555 : vector<16xf32>
        %mul3A_557 = arith.mulf %get3A_554, %get3A_534 : vector<16xf32>
        %add3A_558 = arith.addf %scan3A_522, %mul3A_557 : vector<16xf32>
        %get3A_559 = arith.constant 3 : i32
        %get3A_560 = arith.index_cast %get3A_559 : i32 to index
        %get3A_561 = arith.index_cast %mul3A_526 : i32 to index
        %get3A_562 = tpu.vector_load %arg8[%get3A_560, %get3A_561] {strides = array<i32>} : memref<4x16384xf32, #tpu.memory_space<vmem>>, vector<16xf32>,
        %mul3A_563 = arith.mulf %get3A_562, %get3A_530 : vector<16xf32>
        %add3A_564 = arith.addf %scan3A_523, %mul3A_563 : vector<16xf32>
        %mul3A_565 = arith.mulf %get3A_562, %get3A_534 : vector<16xf32>
        %add3A_566 = arith.addf %scan3A_524, %mul3A_565 : vector<16xf32>
        scf.yield %add3A_540, %add3A_542, %add3A_548, %add3A_550, %add3A_556, %add3A_558, %add3A_564, %add3A_566 : vector<16xf32>, vector<16xf32>, vector<16xf32>, vector<16xf32>, vector<16xf32>, vector<16xf32>, vector<16xf32>, vector<16xf32>
      }
      %scan3A_233 = arith.constant 1024 : i32
      %swap3A_234 = arith.constant 0 : i32
      %swap3A_235 = arith.constant 8 : i32
      %swap3A_236 = arith.index_cast %swap3A_234 : i32 to index
      %swap3A_237 = arith.index_cast %swap3A_235 : i32 to index
      %swap3A_238 = arith.constant 0 : index
      %swap3A_239 = tpu.vector_load %arg9[%swap3A_236, %swap3A_237, %swap3A_238] {strides = array<i32>} : memref<2x16x16xf32, #tpu.memory_space<vmem>>, vector<16xf32>,
      tpu.vector_store %arg9[%swap3A_236, %swap3A_237, %swap3A_238], %scan3A_232#0 {strides = array<i32>} : memref<2x16x16xf32, #tpu.memory_space<vmem>>, vector<16xf32>,
      %swap3A_240 = arith.constant 1 : i32
      %swap3A_241 = arith.constant 8 : i32
      %swap3A_242 = arith.index_cast %swap3A_240 : i32 to index
      %swap3A_243 = arith.index_cast %swap3A_241 : i32 to index
      %swap3A_244 = arith.constant 0 : index
      %swap3A_245 = tpu.vector_load %arg9[%swap3A_242, %swap3A_243, %swap3A_244] {strides = array<i32>} : memref<2x16x16xf32, #tpu.memory_space<vmem>>, vector<16xf32>,
      tpu.vector_store %arg9[%swap3A_242, %swap3A_243, %swap3A_244], %scan3A_232#1 {strides = array<i32>} : memref<2x16x16xf32, #tpu.memory_space<vmem>>, vector<16xf32>,
      %swap3A_246 = arith.constant 0 : i32
      %swap3A_247 = arith.constant 9 : i32
      %swap3A_248 = arith.index_cast %swap3A_246 : i32 to index
      %swap3A_249 = arith.index_cast %swap3A_247 : i32 to index
      %swap3A_250 = arith.constant 0 : index
      %swap3A_251 = tpu.vector_load %arg9[%swap3A_248, %swap3A_249, %swap3A_250] {strides = array<i32>} : memref<2x16x16xf32, #tpu.memory_space<vmem>>, vector<16xf32>,
      tpu.vector_store %arg9[%swap3A_248, %swap3A_249, %swap3A_250], %scan3A_232#2 {strides = array<i32>} : memref<2x16x16xf32, #tpu.memory_space<vmem>>, vector<16xf32>,
      %swap3A_252 = arith.constant 1 : i32
      %swap3A_253 = arith.constant 9 : i32
      %swap3A_254 = arith.index_cast %swap3A_252 : i32 to index
      %swap3A_255 = arith.index_cast %swap3A_253 : i32 to index
      %swap3A_256 = arith.constant 0 : index
      %swap3A_257 = tpu.vector_load %arg9[%swap3A_254, %swap3A_255, %swap3A_256] {strides = array<i32>} : memref<2x16x16xf32, #tpu.memory_space<vmem>>, vector<16xf32>,
      tpu.vector_store %arg9[%swap3A_254, %swap3A_255, %swap3A_256], %scan3A_232#3 {strides = array<i32>} : memref<2x16x16xf32, #tpu.memory_space<vmem>>, vector<16xf32>,
      %swap3A_258 = arith.constant 0 : i32
      %swap3A_259 = arith.constant 10 : i32
      %swap3A_260 = arith.index_cast %swap3A_258 : i32 to index
      %swap3A_261 = arith.index_cast %swap3A_259 : i32 to index
      %swap3A_262 = arith.constant 0 : index
      %swap3A_263 = tpu.vector_load %arg9[%swap3A_260, %swap3A_261, %swap3A_262] {strides = array<i32>} : memref<2x16x16xf32, #tpu.memory_space<vmem>>, vector<16xf32>,
      tpu.vector_store %arg9[%swap3A_260, %swap3A_261, %swap3A_262], %scan3A_232#4 {strides = array<i32>} : memref<2x16x16xf32, #tpu.memory_space<vmem>>, vector<16xf32>,
      %swap3A_264 = arith.constant 1 : i32
      %swap3A_265 = arith.constant 10 : i32
      %swap3A_266 = arith.index_cast %swap3A_264 : i32 to index
      %swap3A_267 = arith.index_cast %swap3A_265 : i32 to index
      %swap3A_268 = arith.constant 0 : index
      %swap3A_269 = tpu.vector_load %arg9[%swap3A_266, %swap3A_267, %swap3A_268] {strides = array<i32>} : memref<2x16x16xf32, #tpu.memory_space<vmem>>, vector<16xf32>,
      tpu.vector_store %arg9[%swap3A_266, %swap3A_267, %swap3A_268], %scan3A_232#5 {strides = array<i32>} : memref<2x16x16xf32, #tpu.memory_space<vmem>>, vector<16xf32>,
      %swap3A_270 = arith.constant 0 : i32
      %swap3A_271 = arith.constant 11 : i32
      %swap3A_272 = arith.index_cast %swap3A_270 : i32 to index
      %swap3A_273 = arith.index_cast %swap3A_271 : i32 to index
      %swap3A_274 = arith.constant 0 : index
      %swap3A_275 = tpu.vector_load %arg9[%swap3A_272, %swap3A_273, %swap3A_274] {strides = array<i32>} : memref<2x16x16xf32, #tpu.memory_space<vmem>>, vector<16xf32>,
      tpu.vector_store %arg9[%swap3A_272, %swap3A_273, %swap3A_274], %scan3A_232#6 {strides = array<i32>} : memref<2x16x16xf32, #tpu.memory_space<vmem>>, vector<16xf32>,
      %swap3A_276 = arith.constant 1 : i32
      %swap3A_277 = arith.constant 11 : i32
      %swap3A_278 = arith.index_cast %swap3A_276 : i32 to index
      %swap3A_279 = arith.index_cast %swap3A_277 : i32 to index
      %swap3A_280 = arith.constant 0 : index
      %swap3A_281 = tpu.vector_load %arg9[%swap3A_278, %swap3A_279, %swap3A_280] {strides = array<i32>} : memref<2x16x16xf32, #tpu.memory_space<vmem>>, vector<16xf32>,
      tpu.vector_store %arg9[%swap3A_278, %swap3A_279, %swap3A_280], %scan3A_232#7 {strides = array<i32>} : memref<2x16x16xf32, #tpu.memory_space<vmem>>, vector<16xf32>,
      %mul3A_282 = arith.constant 16 : i32
      %mul3A_283 = arith.muli %scan3A_9, %mul3A_282 : i32
      %add3A_284 = arith.addi %mul3A_2, %mul3A_283 : i32
      %add3A_285 = arith.constant 12 : i32
      %add3A_286 = arith.addi %add3A_284, %add3A_285 : i32
      "tpu.region"() ({
        %run_scoped3A = tpu.sem_alloc : memref<!tpu.dma_semaphore, #tpu.memory_space<semaphore_mem>>
        %dma_start3A = arith.constant 0 : i32
        %dma_start3A_516 = tpu.memref_slice %arg2[%add3A_286, %dma_start3A] : memref<16384x16384xf32, #tpu.memory_space<hbm>> -> memref<4x16384xf32, #tpu.memory_space<hbm>>
        %dma_start3A_517 = arith.constant 0 : i32
        %dma_start3A_518 = tpu.memref_slice %arg2[%add3A_286, %dma_start3A_517] : memref<16384x16384xf32, #tpu.memory_space<hbm>> -> memref<4x16384xf32, #tpu.memory_space<hbm>>
        tpu.enqueue_dma source(%dma_start3A_518 : memref<4x16384xf32, #tpu.memory_space<hbm>>) target(%arg8 : memref<4x16384xf32, #tpu.memory_space<vmem>>) target_semaphore(%run_scoped3A : memref<!tpu.dma_semaphore, #tpu.memory_space<semaphore_mem>>)
        %dma_wait3A = arith.constant 0 : i32
        %dma_wait3A_519 = tpu.memref_slice %arg2[%add3A_286, %dma_wait3A] : memref<16384x16384xf32, #tpu.memory_space<hbm>> -> memref<4x16384xf32, #tpu.memory_space<hbm>>
        %dma_wait3A_520 = arith.constant 0 : i32
        %dma_wait3A_521 = tpu.memref_slice %arg2[%add3A_286, %dma_wait3A_520] : memref<16384x16384xf32, #tpu.memory_space<hbm>> -> memref<4x16384xf32, #tpu.memory_space<hbm>>
        tpu.wait_dma2 semaphore(%run_scoped3A : memref<!tpu.dma_semaphore, #tpu.memory_space<semaphore_mem>>) src(%dma_wait3A_521 : memref<4x16384xf32, #tpu.memory_space<hbm>>) dst(%arg8 : memref<4x16384xf32, #tpu.memory_space<vmem>>)
        tpu.yield
      }) : () -> ()
      %get3A_287 = arith.constant 0 : i32
      %get3A_288 = arith.index_cast %get3A_287 : i32 to index
      %get3A_289 = arith.constant 0 : index
      %get3A_290 = tpu.vector_load %arg7[%get3A_288, %get3A_289] {strides = array<i32>} : memref<2x16xf32, #tpu.memory_space<vmem>>, vector<16xf32>,
      %get3A_291 = arith.constant 1 : i32
      %get3A_292 = arith.index_cast %get3A_291 : i32 to index
      %get3A_293 = arith.constant 0 : index
      %get3A_294 = tpu.vector_load %arg7[%get3A_292, %get3A_293] {strides = array<i32>} : memref<2x16xf32, #tpu.memory_space<vmem>>, vector<16xf32>,
      %get3A_295 = arith.constant 0 : i32
      %get3A_296 = arith.index_cast %get3A_295 : i32 to index
      %get3A_297 = arith.constant 0 : index
      %get3A_298 = tpu.vector_load %arg7[%get3A_296, %get3A_297] {strides = array<i32>} : memref<2x16xf32, #tpu.memory_space<vmem>>, vector<16xf32>,
      %get3A_299 = arith.constant 1 : i32
      %get3A_300 = arith.index_cast %get3A_299 : i32 to index
      %get3A_301 = arith.constant 0 : index
      %get3A_302 = tpu.vector_load %arg7[%get3A_300, %get3A_301] {strides = array<i32>} : memref<2x16xf32, #tpu.memory_space<vmem>>, vector<16xf32>,
      %get3A_303 = arith.constant 0 : i32
      %get3A_304 = arith.index_cast %get3A_303 : i32 to index
      %get3A_305 = arith.constant 0 : index
      %get3A_306 = tpu.vector_load %arg7[%get3A_304, %get3A_305] {strides = array<i32>} : memref<2x16xf32, #tpu.memory_space<vmem>>, vector<16xf32>,
      %get3A_307 = arith.constant 1 : i32
      %get3A_308 = arith.index_cast %get3A_307 : i32 to index
      %get3A_309 = arith.constant 0 : index
      %get3A_310 = tpu.vector_load %arg7[%get3A_308, %get3A_309] {strides = array<i32>} : memref<2x16xf32, #tpu.memory_space<vmem>>, vector<16xf32>,
      %get3A_311 = arith.constant 0 : i32
      %get3A_312 = arith.index_cast %get3A_311 : i32 to index
      %get3A_313 = arith.constant 0 : index
      %get3A_314 = tpu.vector_load %arg7[%get3A_312, %get3A_313] {strides = array<i32>} : memref<2x16xf32, #tpu.memory_space<vmem>>, vector<16xf32>,
      %get3A_315 = arith.constant 1 : i32
      %get3A_316 = arith.index_cast %get3A_315 : i32 to index
      %get3A_317 = arith.constant 0 : index
      %get3A_318 = tpu.vector_load %arg7[%get3A_316, %get3A_317] {strides = array<i32>} : memref<2x16xf32, #tpu.memory_space<vmem>>, vector<16xf32>,
      %scan3A_319 = arith.constant 0 : i32
      %scan3A_320 = arith.constant 1024 : i32
      %scan3A_321 = arith.addi %scan3A_319, %scan3A_320 : i32
      %scan3A_322 = arith.constant 1 : i32
      %scan3A_323:8 = scf.for %scan3A_516 = %scan3A_319 to %scan3A_321 step %scan3A_322 iter_args(%scan3A_517 = %get3A_290, %scan3A_518 = %get3A_294, %scan3A_519 = %get3A_298, %scan3A_520 = %get3A_302, %scan3A_521 = %get3A_306, %scan3A_522 = %get3A_310, %scan3A_523 = %get3A_314, %scan3A_524 = %get3A_318) -> (vector<16xf32>, vector<16xf32>, vector<16xf32>, vector<16xf32>, vector<16xf32>, vector<16xf32>, vector<16xf32>, vector<16xf32>)  : i32 {
        %mul3A_525 = arith.constant 16 : i32
        %mul3A_526 = arith.muli %scan3A_516, %mul3A_525 : i32
        %get3A_527 = arith.constant 0 : i32
        %get3A_528 = arith.index_cast %get3A_527 : i32 to index
        %get3A_529 = arith.index_cast %mul3A_526 : i32 to index
        %get3A_530 = tpu.vector_load %arg6[%get3A_528, %get3A_529] {strides = array<i32>} : memref<2x16384xf32, #tpu.memory_space<vmem>>, vector<16xf32>,
        %get3A_531 = arith.constant 1 : i32
        %get3A_532 = arith.index_cast %get3A_531 : i32 to index
        %get3A_533 = arith.index_cast %mul3A_526 : i32 to index
        %get3A_534 = tpu.vector_load %arg6[%get3A_532, %get3A_533] {strides = array<i32>} : memref<2x16384xf32, #tpu.memory_space<vmem>>, vector<16xf32>,
        %get3A_535 = arith.constant 0 : i32
        %get3A_536 = arith.index_cast %get3A_535 : i32 to index
        %get3A_537 = arith.index_cast %mul3A_526 : i32 to index
        %get3A_538 = tpu.vector_load %arg8[%get3A_536, %get3A_537] {strides = array<i32>} : memref<4x16384xf32, #tpu.memory_space<vmem>>, vector<16xf32>,
        %mul3A_539 = arith.mulf %get3A_538, %get3A_530 : vector<16xf32>
        %add3A_540 = arith.addf %scan3A_517, %mul3A_539 : vector<16xf32>
        %mul3A_541 = arith.mulf %get3A_538, %get3A_534 : vector<16xf32>
        %add3A_542 = arith.addf %scan3A_518, %mul3A_541 : vector<16xf32>
        %get3A_543 = arith.constant 1 : i32
        %get3A_544 = arith.index_cast %get3A_543 : i32 to index
        %get3A_545 = arith.index_cast %mul3A_526 : i32 to index
        %get3A_546 = tpu.vector_load %arg8[%get3A_544, %get3A_545] {strides = array<i32>} : memref<4x16384xf32, #tpu.memory_space<vmem>>, vector<16xf32>,
        %mul3A_547 = arith.mulf %get3A_546, %get3A_530 : vector<16xf32>
        %add3A_548 = arith.addf %scan3A_519, %mul3A_547 : vector<16xf32>
        %mul3A_549 = arith.mulf %get3A_546, %get3A_534 : vector<16xf32>
        %add3A_550 = arith.addf %scan3A_520, %mul3A_549 : vector<16xf32>
        %get3A_551 = arith.constant 2 : i32
        %get3A_552 = arith.index_cast %get3A_551 : i32 to index
        %get3A_553 = arith.index_cast %mul3A_526 : i32 to index
        %get3A_554 = tpu.vector_load %arg8[%get3A_552, %get3A_553] {strides = array<i32>} : memref<4x16384xf32, #tpu.memory_space<vmem>>, vector<16xf32>,
        %mul3A_555 = arith.mulf %get3A_554, %get3A_530 : vector<16xf32>
        %add3A_556 = arith.addf %scan3A_521, %mul3A_555 : vector<16xf32>
        %mul3A_557 = arith.mulf %get3A_554, %get3A_534 : vector<16xf32>
        %add3A_558 = arith.addf %scan3A_522, %mul3A_557 : vector<16xf32>
        %get3A_559 = arith.constant 3 : i32
        %get3A_560 = arith.index_cast %get3A_559 : i32 to index
        %get3A_561 = arith.index_cast %mul3A_526 : i32 to index
        %get3A_562 = tpu.vector_load %arg8[%get3A_560, %get3A_561] {strides = array<i32>} : memref<4x16384xf32, #tpu.memory_space<vmem>>, vector<16xf32>,
        %mul3A_563 = arith.mulf %get3A_562, %get3A_530 : vector<16xf32>
        %add3A_564 = arith.addf %scan3A_523, %mul3A_563 : vector<16xf32>
        %mul3A_565 = arith.mulf %get3A_562, %get3A_534 : vector<16xf32>
        %add3A_566 = arith.addf %scan3A_524, %mul3A_565 : vector<16xf32>
        scf.yield %add3A_540, %add3A_542, %add3A_548, %add3A_550, %add3A_556, %add3A_558, %add3A_564, %add3A_566 : vector<16xf32>, vector<16xf32>, vector<16xf32>, vector<16xf32>, vector<16xf32>, vector<16xf32>, vector<16xf32>, vector<16xf32>
      }
      %scan3A_324 = arith.constant 1024 : i32
      %swap3A_325 = arith.constant 0 : i32
      %swap3A_326 = arith.constant 12 : i32
      %swap3A_327 = arith.index_cast %swap3A_325 : i32 to index
      %swap3A_328 = arith.index_cast %swap3A_326 : i32 to index
      %swap3A_329 = arith.constant 0 : index
      %swap3A_330 = tpu.vector_load %arg9[%swap3A_327, %swap3A_328, %swap3A_329] {strides = array<i32>} : memref<2x16x16xf32, #tpu.memory_space<vmem>>, vector<16xf32>,
      tpu.vector_store %arg9[%swap3A_327, %swap3A_328, %swap3A_329], %scan3A_323#0 {strides = array<i32>} : memref<2x16x16xf32, #tpu.memory_space<vmem>>, vector<16xf32>,
      %swap3A_331 = arith.constant 1 : i32
      %swap3A_332 = arith.constant 12 : i32
      %swap3A_333 = arith.index_cast %swap3A_331 : i32 to index
      %swap3A_334 = arith.index_cast %swap3A_332 : i32 to index
      %swap3A_335 = arith.constant 0 : index
      %swap3A_336 = tpu.vector_load %arg9[%swap3A_333, %swap3A_334, %swap3A_335] {strides = array<i32>} : memref<2x16x16xf32, #tpu.memory_space<vmem>>, vector<16xf32>,
      tpu.vector_store %arg9[%swap3A_333, %swap3A_334, %swap3A_335], %scan3A_323#1 {strides = array<i32>} : memref<2x16x16xf32, #tpu.memory_space<vmem>>, vector<16xf32>,
      %swap3A_337 = arith.constant 0 : i32
      %swap3A_338 = arith.constant 13 : i32
      %swap3A_339 = arith.index_cast %swap3A_337 : i32 to index
      %swap3A_340 = arith.index_cast %swap3A_338 : i32 to index
      %swap3A_341 = arith.constant 0 : index
      %swap3A_342 = tpu.vector_load %arg9[%swap3A_339, %swap3A_340, %swap3A_341] {strides = array<i32>} : memref<2x16x16xf32, #tpu.memory_space<vmem>>, vector<16xf32>,
      tpu.vector_store %arg9[%swap3A_339, %swap3A_340, %swap3A_341], %scan3A_323#2 {strides = array<i32>} : memref<2x16x16xf32, #tpu.memory_space<vmem>>, vector<16xf32>,
      %swap3A_343 = arith.constant 1 : i32
      %swap3A_344 = arith.constant 13 : i32
      %swap3A_345 = arith.index_cast %swap3A_343 : i32 to index
      %swap3A_346 = arith.index_cast %swap3A_344 : i32 to index
      %swap3A_347 = arith.constant 0 : index
      %swap3A_348 = tpu.vector_load %arg9[%swap3A_345, %swap3A_346, %swap3A_347] {strides = array<i32>} : memref<2x16x16xf32, #tpu.memory_space<vmem>>, vector<16xf32>,
      tpu.vector_store %arg9[%swap3A_345, %swap3A_346, %swap3A_347], %scan3A_323#3 {strides = array<i32>} : memref<2x16x16xf32, #tpu.memory_space<vmem>>, vector<16xf32>,
      %swap3A_349 = arith.constant 0 : i32
      %swap3A_350 = arith.constant 14 : i32
      %swap3A_351 = arith.index_cast %swap3A_349 : i32 to index
      %swap3A_352 = arith.index_cast %swap3A_350 : i32 to index
      %swap3A_353 = arith.constant 0 : index
      %swap3A_354 = tpu.vector_load %arg9[%swap3A_351, %swap3A_352, %swap3A_353] {strides = array<i32>} : memref<2x16x16xf32, #tpu.memory_space<vmem>>, vector<16xf32>,
      tpu.vector_store %arg9[%swap3A_351, %swap3A_352, %swap3A_353], %scan3A_323#4 {strides = array<i32>} : memref<2x16x16xf32, #tpu.memory_space<vmem>>, vector<16xf32>,
      %swap3A_355 = arith.constant 1 : i32
      %swap3A_356 = arith.constant 14 : i32
      %swap3A_357 = arith.index_cast %swap3A_355 : i32 to index
      %swap3A_358 = arith.index_cast %swap3A_356 : i32 to index
      %swap3A_359 = arith.constant 0 : index
      %swap3A_360 = tpu.vector_load %arg9[%swap3A_357, %swap3A_358, %swap3A_359] {strides = array<i32>} : memref<2x16x16xf32, #tpu.memory_space<vmem>>, vector<16xf32>,
      tpu.vector_store %arg9[%swap3A_357, %swap3A_358, %swap3A_359], %scan3A_323#5 {strides = array<i32>} : memref<2x16x16xf32, #tpu.memory_space<vmem>>, vector<16xf32>,
      %swap3A_361 = arith.constant 0 : i32
      %swap3A_362 = arith.constant 15 : i32
      %swap3A_363 = arith.index_cast %swap3A_361 : i32 to index
      %swap3A_364 = arith.index_cast %swap3A_362 : i32 to index
      %swap3A_365 = arith.constant 0 : index
      %swap3A_366 = tpu.vector_load %arg9[%swap3A_363, %swap3A_364, %swap3A_365] {strides = array<i32>} : memref<2x16x16xf32, #tpu.memory_space<vmem>>, vector<16xf32>,
      tpu.vector_store %arg9[%swap3A_363, %swap3A_364, %swap3A_365], %scan3A_323#6 {strides = array<i32>} : memref<2x16x16xf32, #tpu.memory_space<vmem>>, vector<16xf32>,
      %swap3A_367 = arith.constant 1 : i32
      %swap3A_368 = arith.constant 15 : i32
      %swap3A_369 = arith.index_cast %swap3A_367 : i32 to index
      %swap3A_370 = arith.index_cast %swap3A_368 : i32 to index
      %swap3A_371 = arith.constant 0 : index
      %swap3A_372 = tpu.vector_load %arg9[%swap3A_369, %swap3A_370, %swap3A_371] {strides = array<i32>} : memref<2x16x16xf32, #tpu.memory_space<vmem>>, vector<16xf32>,
      tpu.vector_store %arg9[%swap3A_369, %swap3A_370, %swap3A_371], %scan3A_323#7 {strides = array<i32>} : memref<2x16x16xf32, #tpu.memory_space<vmem>>, vector<16xf32>,
      %broadcast_in_dim3A = arith.constant 0 : i32
      %broadcast_in_dim3A_373 = vector.broadcast %broadcast_in_dim3A : i32 to vector<16xi32>
      %broadcast_in_dim3A_374 = arith.constant 0.000000e+00 : f32
      %broadcast_in_dim3A_375 = vector.broadcast %broadcast_in_dim3A_374 : f32 to vector<16xf32>
      %broadcast_in_dim3A_376 = arith.constant 0 : i32
      %broadcast_in_dim3A_377 = vector.broadcast %broadcast_in_dim3A_376 : i32 to vector<16xi32>
      %gather3A = tpu.vector_load_idx %arg9[%broadcast_in_dim3A_373, %iota3A, %broadcast_in_dim3A_377] : memref<2x16x16xf32, #tpu.memory_space<vmem>>[vector<16xi32>, vector<16xi32>, vector<16xi32>], vector<16xf32>,
      %add3A_378 = arith.addf %broadcast_in_dim3A_375, %gather3A : vector<16xf32>
      %broadcast_in_dim3A_379 = arith.constant 1 : i32
      %broadcast_in_dim3A_380 = vector.broadcast %broadcast_in_dim3A_379 : i32 to vector<16xi32>
      %gather3A_381 = tpu.vector_load_idx %arg9[%broadcast_in_dim3A_373, %iota3A, %broadcast_in_dim3A_380] : memref<2x16x16xf32, #tpu.memory_space<vmem>>[vector<16xi32>, vector<16xi32>, vector<16xi32>], vector<16xf32>,
      %add3A_382 = arith.addf %add3A_378, %gather3A_381 : vector<16xf32>
      %broadcast_in_dim3A_383 = arith.constant 2 : i32
      %broadcast_in_dim3A_384 = vector.broadcast %broadcast_in_dim3A_383 : i32 to vector<16xi32>
      %gather3A_385 = tpu.vector_load_idx %arg9[%broadcast_in_dim3A_373, %iota3A, %broadcast_in_dim3A_384] : memref<2x16x16xf32, #tpu.memory_space<vmem>>[vector<16xi32>, vector<16xi32>, vector<16xi32>], vector<16xf32>,
      %add3A_386 = arith.addf %add3A_382, %gather3A_385 : vector<16xf32>
      %broadcast_in_dim3A_387 = arith.constant 3 : i32
      %broadcast_in_dim3A_388 = vector.broadcast %broadcast_in_dim3A_387 : i32 to vector<16xi32>
      %gather3A_389 = tpu.vector_load_idx %arg9[%broadcast_in_dim3A_373, %iota3A, %broadcast_in_dim3A_388] : memref<2x16x16xf32, #tpu.memory_space<vmem>>[vector<16xi32>, vector<16xi32>, vector<16xi32>], vector<16xf32>,
      %add3A_390 = arith.addf %add3A_386, %gather3A_389 : vector<16xf32>
      %broadcast_in_dim3A_391 = arith.constant 4 : i32
      %broadcast_in_dim3A_392 = vector.broadcast %broadcast_in_dim3A_391 : i32 to vector<16xi32>
      %gather3A_393 = tpu.vector_load_idx %arg9[%broadcast_in_dim3A_373, %iota3A, %broadcast_in_dim3A_392] : memref<2x16x16xf32, #tpu.memory_space<vmem>>[vector<16xi32>, vector<16xi32>, vector<16xi32>], vector<16xf32>,
      %add3A_394 = arith.addf %add3A_390, %gather3A_393 : vector<16xf32>
      %broadcast_in_dim3A_395 = arith.constant 5 : i32
      %broadcast_in_dim3A_396 = vector.broadcast %broadcast_in_dim3A_395 : i32 to vector<16xi32>
      %gather3A_397 = tpu.vector_load_idx %arg9[%broadcast_in_dim3A_373, %iota3A, %broadcast_in_dim3A_396] : memref<2x16x16xf32, #tpu.memory_space<vmem>>[vector<16xi32>, vector<16xi32>, vector<16xi32>], vector<16xf32>,
      %add3A_398 = arith.addf %add3A_394, %gather3A_397 : vector<16xf32>
      %broadcast_in_dim3A_399 = arith.constant 6 : i32
      %broadcast_in_dim3A_400 = vector.broadcast %broadcast_in_dim3A_399 : i32 to vector<16xi32>
      %gather3A_401 = tpu.vector_load_idx %arg9[%broadcast_in_dim3A_373, %iota3A, %broadcast_in_dim3A_400] : memref<2x16x16xf32, #tpu.memory_space<vmem>>[vector<16xi32>, vector<16xi32>, vector<16xi32>], vector<16xf32>,
      %add3A_402 = arith.addf %add3A_398, %gather3A_401 : vector<16xf32>
      %broadcast_in_dim3A_403 = arith.constant 7 : i32
      %broadcast_in_dim3A_404 = vector.broadcast %broadcast_in_dim3A_403 : i32 to vector<16xi32>
      %gather3A_405 = tpu.vector_load_idx %arg9[%broadcast_in_dim3A_373, %iota3A, %broadcast_in_dim3A_404] : memref<2x16x16xf32, #tpu.memory_space<vmem>>[vector<16xi32>, vector<16xi32>, vector<16xi32>], vector<16xf32>,
      %add3A_406 = arith.addf %add3A_402, %gather3A_405 : vector<16xf32>
      %broadcast_in_dim3A_407 = arith.constant 8 : i32
      %broadcast_in_dim3A_408 = vector.broadcast %broadcast_in_dim3A_407 : i32 to vector<16xi32>
      %gather3A_409 = tpu.vector_load_idx %arg9[%broadcast_in_dim3A_373, %iota3A, %broadcast_in_dim3A_408] : memref<2x16x16xf32, #tpu.memory_space<vmem>>[vector<16xi32>, vector<16xi32>, vector<16xi32>], vector<16xf32>,
      %add3A_410 = arith.addf %add3A_406, %gather3A_409 : vector<16xf32>
      %broadcast_in_dim3A_411 = arith.constant 9 : i32
      %broadcast_in_dim3A_412 = vector.broadcast %broadcast_in_dim3A_411 : i32 to vector<16xi32>
      %gather3A_413 = tpu.vector_load_idx %arg9[%broadcast_in_dim3A_373, %iota3A, %broadcast_in_dim3A_412] : memref<2x16x16xf32, #tpu.memory_space<vmem>>[vector<16xi32>, vector<16xi32>, vector<16xi32>], vector<16xf32>,
      %add3A_414 = arith.addf %add3A_410, %gather3A_413 : vector<16xf32>
      %broadcast_in_dim3A_415 = arith.constant 10 : i32
      %broadcast_in_dim3A_416 = vector.broadcast %broadcast_in_dim3A_415 : i32 to vector<16xi32>
      %gather3A_417 = tpu.vector_load_idx %arg9[%broadcast_in_dim3A_373, %iota3A, %broadcast_in_dim3A_416] : memref<2x16x16xf32, #tpu.memory_space<vmem>>[vector<16xi32>, vector<16xi32>, vector<16xi32>], vector<16xf32>,
      %add3A_418 = arith.addf %add3A_414, %gather3A_417 : vector<16xf32>
      %broadcast_in_dim3A_419 = arith.constant 11 : i32
      %broadcast_in_dim3A_420 = vector.broadcast %broadcast_in_dim3A_419 : i32 to vector<16xi32>
      %gather3A_421 = tpu.vector_load_idx %arg9[%broadcast_in_dim3A_373, %iota3A, %broadcast_in_dim3A_420] : memref<2x16x16xf32, #tpu.memory_space<vmem>>[vector<16xi32>, vector<16xi32>, vector<16xi32>], vector<16xf32>,
      %add3A_422 = arith.addf %add3A_418, %gather3A_421 : vector<16xf32>
      %broadcast_in_dim3A_423 = arith.constant 12 : i32
      %broadcast_in_dim3A_424 = vector.broadcast %broadcast_in_dim3A_423 : i32 to vector<16xi32>
      %gather3A_425 = tpu.vector_load_idx %arg9[%broadcast_in_dim3A_373, %iota3A, %broadcast_in_dim3A_424] : memref<2x16x16xf32, #tpu.memory_space<vmem>>[vector<16xi32>, vector<16xi32>, vector<16xi32>], vector<16xf32>,
      %add3A_426 = arith.addf %add3A_422, %gather3A_425 : vector<16xf32>
      %broadcast_in_dim3A_427 = arith.constant 13 : i32
      %broadcast_in_dim3A_428 = vector.broadcast %broadcast_in_dim3A_427 : i32 to vector<16xi32>
      %gather3A_429 = tpu.vector_load_idx %arg9[%broadcast_in_dim3A_373, %iota3A, %broadcast_in_dim3A_428] : memref<2x16x16xf32, #tpu.memory_space<vmem>>[vector<16xi32>, vector<16xi32>, vector<16xi32>], vector<16xf32>,
      %add3A_430 = arith.addf %add3A_426, %gather3A_429 : vector<16xf32>
      %broadcast_in_dim3A_431 = arith.constant 14 : i32
      %broadcast_in_dim3A_432 = vector.broadcast %broadcast_in_dim3A_431 : i32 to vector<16xi32>
      %gather3A_433 = tpu.vector_load_idx %arg9[%broadcast_in_dim3A_373, %iota3A, %broadcast_in_dim3A_432] : memref<2x16x16xf32, #tpu.memory_space<vmem>>[vector<16xi32>, vector<16xi32>, vector<16xi32>], vector<16xf32>,
      %add3A_434 = arith.addf %add3A_430, %gather3A_433 : vector<16xf32>
      %broadcast_in_dim3A_435 = arith.constant 15 : i32
      %broadcast_in_dim3A_436 = vector.broadcast %broadcast_in_dim3A_435 : i32 to vector<16xi32>
      %gather3A_437 = tpu.vector_load_idx %arg9[%broadcast_in_dim3A_373, %iota3A, %broadcast_in_dim3A_436] : memref<2x16x16xf32, #tpu.memory_space<vmem>>[vector<16xi32>, vector<16xi32>, vector<16xi32>], vector<16xf32>,
      %add3A_438 = arith.addf %add3A_434, %gather3A_437 : vector<16xf32>
      %mul3A_439 = arith.constant 16 : i32
      %mul3A_440 = arith.muli %scan3A_9, %mul3A_439 : i32
      %add3A_441 = vector.broadcast %mul3A_440 : i32 to vector<16xi32>
      %add3A_442 = arith.addi %add3A_441, %iota3A : vector<16xi32>
      tpu.vector_store_idx %arg10[%add3A_442, %broadcast_in_dim3A_373], %add3A_438 : memref<64x2xf32, #tpu.memory_space<vmem>>[vector<16xi32>, vector<16xi32>], vector<16xf32>,
      %broadcast_in_dim3A_443 = arith.constant 1 : i32
      %broadcast_in_dim3A_444 = vector.broadcast %broadcast_in_dim3A_443 : i32 to vector<16xi32>
      %broadcast_in_dim3A_445 = arith.constant 0.000000e+00 : f32
      %broadcast_in_dim3A_446 = vector.broadcast %broadcast_in_dim3A_445 : f32 to vector<16xf32>
      %broadcast_in_dim3A_447 = arith.constant 0 : i32
      %broadcast_in_dim3A_448 = vector.broadcast %broadcast_in_dim3A_447 : i32 to vector<16xi32>
      %gather3A_449 = tpu.vector_load_idx %arg9[%broadcast_in_dim3A_444, %iota3A, %broadcast_in_dim3A_448] : memref<2x16x16xf32, #tpu.memory_space<vmem>>[vector<16xi32>, vector<16xi32>, vector<16xi32>], vector<16xf32>,
      %add3A_450 = arith.addf %broadcast_in_dim3A_446, %gather3A_449 : vector<16xf32>
      %broadcast_in_dim3A_451 = arith.constant 1 : i32
      %broadcast_in_dim3A_452 = vector.broadcast %broadcast_in_dim3A_451 : i32 to vector<16xi32>
      %gather3A_453 = tpu.vector_load_idx %arg9[%broadcast_in_dim3A_444, %iota3A, %broadcast_in_dim3A_452] : memref<2x16x16xf32, #tpu.memory_space<vmem>>[vector<16xi32>, vector<16xi32>, vector<16xi32>], vector<16xf32>,
      %add3A_454 = arith.addf %add3A_450, %gather3A_453 : vector<16xf32>
      %broadcast_in_dim3A_455 = arith.constant 2 : i32
      %broadcast_in_dim3A_456 = vector.broadcast %broadcast_in_dim3A_455 : i32 to vector<16xi32>
      %gather3A_457 = tpu.vector_load_idx %arg9[%broadcast_in_dim3A_444, %iota3A, %broadcast_in_dim3A_456] : memref<2x16x16xf32, #tpu.memory_space<vmem>>[vector<16xi32>, vector<16xi32>, vector<16xi32>], vector<16xf32>,
      %add3A_458 = arith.addf %add3A_454, %gather3A_457 : vector<16xf32>
      %broadcast_in_dim3A_459 = arith.constant 3 : i32
      %broadcast_in_dim3A_460 = vector.broadcast %broadcast_in_dim3A_459 : i32 to vector<16xi32>
      %gather3A_461 = tpu.vector_load_idx %arg9[%broadcast_in_dim3A_444, %iota3A, %broadcast_in_dim3A_460] : memref<2x16x16xf32, #tpu.memory_space<vmem>>[vector<16xi32>, vector<16xi32>, vector<16xi32>], vector<16xf32>,
      %add3A_462 = arith.addf %add3A_458, %gather3A_461 : vector<16xf32>
      %broadcast_in_dim3A_463 = arith.constant 4 : i32
      %broadcast_in_dim3A_464 = vector.broadcast %broadcast_in_dim3A_463 : i32 to vector<16xi32>
      %gather3A_465 = tpu.vector_load_idx %arg9[%broadcast_in_dim3A_444, %iota3A, %broadcast_in_dim3A_464] : memref<2x16x16xf32, #tpu.memory_space<vmem>>[vector<16xi32>, vector<16xi32>, vector<16xi32>], vector<16xf32>,
      %add3A_466 = arith.addf %add3A_462, %gather3A_465 : vector<16xf32>
      %broadcast_in_dim3A_467 = arith.constant 5 : i32
      %broadcast_in_dim3A_468 = vector.broadcast %broadcast_in_dim3A_467 : i32 to vector<16xi32>
      %gather3A_469 = tpu.vector_load_idx %arg9[%broadcast_in_dim3A_444, %iota3A, %broadcast_in_dim3A_468] : memref<2x16x16xf32, #tpu.memory_space<vmem>>[vector<16xi32>, vector<16xi32>, vector<16xi32>], vector<16xf32>,
      %add3A_470 = arith.addf %add3A_466, %gather3A_469 : vector<16xf32>
      %broadcast_in_dim3A_471 = arith.constant 6 : i32
      %broadcast_in_dim3A_472 = vector.broadcast %broadcast_in_dim3A_471 : i32 to vector<16xi32>
      %gather3A_473 = tpu.vector_load_idx %arg9[%broadcast_in_dim3A_444, %iota3A, %broadcast_in_dim3A_472] : memref<2x16x16xf32, #tpu.memory_space<vmem>>[vector<16xi32>, vector<16xi32>, vector<16xi32>], vector<16xf32>,
      %add3A_474 = arith.addf %add3A_470, %gather3A_473 : vector<16xf32>
      %broadcast_in_dim3A_475 = arith.constant 7 : i32
      %broadcast_in_dim3A_476 = vector.broadcast %broadcast_in_dim3A_475 : i32 to vector<16xi32>
      %gather3A_477 = tpu.vector_load_idx %arg9[%broadcast_in_dim3A_444, %iota3A, %broadcast_in_dim3A_476] : memref<2x16x16xf32, #tpu.memory_space<vmem>>[vector<16xi32>, vector<16xi32>, vector<16xi32>], vector<16xf32>,
      %add3A_478 = arith.addf %add3A_474, %gather3A_477 : vector<16xf32>
      %broadcast_in_dim3A_479 = arith.constant 8 : i32
      %broadcast_in_dim3A_480 = vector.broadcast %broadcast_in_dim3A_479 : i32 to vector<16xi32>
      %gather3A_481 = tpu.vector_load_idx %arg9[%broadcast_in_dim3A_444, %iota3A, %broadcast_in_dim3A_480] : memref<2x16x16xf32, #tpu.memory_space<vmem>>[vector<16xi32>, vector<16xi32>, vector<16xi32>], vector<16xf32>,
      %add3A_482 = arith.addf %add3A_478, %gather3A_481 : vector<16xf32>
      %broadcast_in_dim3A_483 = arith.constant 9 : i32
      %broadcast_in_dim3A_484 = vector.broadcast %broadcast_in_dim3A_483 : i32 to vector<16xi32>
      %gather3A_485 = tpu.vector_load_idx %arg9[%broadcast_in_dim3A_444, %iota3A, %broadcast_in_dim3A_484] : memref<2x16x16xf32, #tpu.memory_space<vmem>>[vector<16xi32>, vector<16xi32>, vector<16xi32>], vector<16xf32>,
      %add3A_486 = arith.addf %add3A_482, %gather3A_485 : vector<16xf32>
      %broadcast_in_dim3A_487 = arith.constant 10 : i32
      %broadcast_in_dim3A_488 = vector.broadcast %broadcast_in_dim3A_487 : i32 to vector<16xi32>
      %gather3A_489 = tpu.vector_load_idx %arg9[%broadcast_in_dim3A_444, %iota3A, %broadcast_in_dim3A_488] : memref<2x16x16xf32, #tpu.memory_space<vmem>>[vector<16xi32>, vector<16xi32>, vector<16xi32>], vector<16xf32>,
      %add3A_490 = arith.addf %add3A_486, %gather3A_489 : vector<16xf32>
      %broadcast_in_dim3A_491 = arith.constant 11 : i32
      %broadcast_in_dim3A_492 = vector.broadcast %broadcast_in_dim3A_491 : i32 to vector<16xi32>
      %gather3A_493 = tpu.vector_load_idx %arg9[%broadcast_in_dim3A_444, %iota3A, %broadcast_in_dim3A_492] : memref<2x16x16xf32, #tpu.memory_space<vmem>>[vector<16xi32>, vector<16xi32>, vector<16xi32>], vector<16xf32>,
      %add3A_494 = arith.addf %add3A_490, %gather3A_493 : vector<16xf32>
      %broadcast_in_dim3A_495 = arith.constant 12 : i32
      %broadcast_in_dim3A_496 = vector.broadcast %broadcast_in_dim3A_495 : i32 to vector<16xi32>
      %gather3A_497 = tpu.vector_load_idx %arg9[%broadcast_in_dim3A_444, %iota3A, %broadcast_in_dim3A_496] : memref<2x16x16xf32, #tpu.memory_space<vmem>>[vector<16xi32>, vector<16xi32>, vector<16xi32>], vector<16xf32>,
      %add3A_498 = arith.addf %add3A_494, %gather3A_497 : vector<16xf32>
      %broadcast_in_dim3A_499 = arith.constant 13 : i32
      %broadcast_in_dim3A_500 = vector.broadcast %broadcast_in_dim3A_499 : i32 to vector<16xi32>
      %gather3A_501 = tpu.vector_load_idx %arg9[%broadcast_in_dim3A_444, %iota3A, %broadcast_in_dim3A_500] : memref<2x16x16xf32, #tpu.memory_space<vmem>>[vector<16xi32>, vector<16xi32>, vector<16xi32>], vector<16xf32>,
      %add3A_502 = arith.addf %add3A_498, %gather3A_501 : vector<16xf32>
      %broadcast_in_dim3A_503 = arith.constant 14 : i32
      %broadcast_in_dim3A_504 = vector.broadcast %broadcast_in_dim3A_503 : i32 to vector<16xi32>
      %gather3A_505 = tpu.vector_load_idx %arg9[%broadcast_in_dim3A_444, %iota3A, %broadcast_in_dim3A_504] : memref<2x16x16xf32, #tpu.memory_space<vmem>>[vector<16xi32>, vector<16xi32>, vector<16xi32>], vector<16xf32>,
      %add3A_506 = arith.addf %add3A_502, %gather3A_505 : vector<16xf32>
      %broadcast_in_dim3A_507 = arith.constant 15 : i32
      %broadcast_in_dim3A_508 = vector.broadcast %broadcast_in_dim3A_507 : i32 to vector<16xi32>
      %gather3A_509 = tpu.vector_load_idx %arg9[%broadcast_in_dim3A_444, %iota3A, %broadcast_in_dim3A_508] : memref<2x16x16xf32, #tpu.memory_space<vmem>>[vector<16xi32>, vector<16xi32>, vector<16xi32>], vector<16xf32>,
      %add3A_510 = arith.addf %add3A_506, %gather3A_509 : vector<16xf32>
      %mul3A_511 = arith.constant 16 : i32
      %mul3A_512 = arith.muli %scan3A_9, %mul3A_511 : i32
      %add3A_513 = vector.broadcast %mul3A_512 : i32 to vector<16xi32>
      %add3A_514 = arith.addi %add3A_513, %iota3A : vector<16xi32>
      tpu.vector_store_idx %arg10[%add3A_514, %broadcast_in_dim3A_444], %add3A_510 : memref<64x2xf32, #tpu.memory_space<vmem>>[vector<16xi32>, vector<16xi32>], vector<16xf32>,
      %scan3A_515 = arith.constant 0 : i32
      scf.yield %scan3A_515 : i32
    }
    %scan3A_8 = arith.constant 4 : i32
    "tpu.region"() ({
      %run_scoped3A = tpu.sem_alloc : memref<!tpu.dma_semaphore, #tpu.memory_space<semaphore_mem>>
      %dma_start3A = arith.constant 0 : i32
      %dma_start3A_9 = tpu.memref_slice %arg5[%mul3A_2, %dma_start3A] : memref<2048x2xf32, #tpu.memory_space<hbm>> -> memref<64x2xf32, #tpu.memory_space<hbm>>
      %dma_start3A_10 = arith.constant 0 : i32
      %dma_start3A_11 = tpu.memref_slice %arg5[%mul3A_2, %dma_start3A_10] : memref<2048x2xf32, #tpu.memory_space<hbm>> -> memref<64x2xf32, #tpu.memory_space<hbm>>
      tpu.enqueue_dma source(%arg10 : memref<64x2xf32, #tpu.memory_space<vmem>>) target(%dma_start3A_11 : memref<64x2xf32, #tpu.memory_space<hbm>>) target_semaphore(%run_scoped3A : memref<!tpu.dma_semaphore, #tpu.memory_space<semaphore_mem>>)
      %dma_wait3A = arith.constant 0 : i32
      %dma_wait3A_12 = tpu.memref_slice %arg5[%mul3A_2, %dma_wait3A] : memref<2048x2xf32, #tpu.memory_space<hbm>> -> memref<64x2xf32, #tpu.memory_space<hbm>>
      %dma_wait3A_13 = arith.constant 0 : i32
      %dma_wait3A_14 = tpu.memref_slice %arg5[%mul3A_2, %dma_wait3A_13] : memref<2048x2xf32, #tpu.memory_space<hbm>> -> memref<64x2xf32, #tpu.memory_space<hbm>>
      tpu.wait_dma2 semaphore(%run_scoped3A : memref<!tpu.dma_semaphore, #tpu.memory_space<semaphore_mem>>) src(%arg10 : memref<64x2xf32, #tpu.memory_space<vmem>>) dst(%dma_wait3A_14 : memref<64x2xf32, #tpu.memory_space<hbm>>)
      tpu.yield
    }) : () -> ()
    return
  }
}

module attributes {stable_mosaic.version = 14 : i64} {
  func.func @_tc_linear_kernel(%arg0: i32, %arg1: memref<128x16384xf32, #tpu.memory_space<vmem>>, %arg2: memref<2x16384xf32, #tpu.memory_space<vmem>>, %arg3: memref<1x2xf32, #tpu.memory_space<vmem>>, %arg4: memref<128x2xf32, #tpu.memory_space<vmem>>) attributes {dimension_semantics = [#tpu.dimension_semantics<arbitrary>], iteration_bounds = array<i64: 112>, scalar_prefetch = 0 : i64, scratch_operands = 0 : i64, tpu.core_type = #tpu.core_type<tc>, window_params = [{transform_indices = @transform_0, window_bounds = array<i64: 128, 16384>}, {pipeline_mode = #tpu.pipeline_mode<synchronous>, transform_indices = @transform_1, window_bounds = array<i64: 2, 16384>}, {pipeline_mode = #tpu.pipeline_mode<synchronous>, transform_indices = @transform_2, window_bounds = array<i64: 1, 2>}, {transform_indices = @transform_3, window_bounds = array<i64: 128, 2>}]} {
    %get3A = arith.constant 0 : index
    %get3A_0 = arith.constant 0 : index
    %get3A_1 = vector.load %arg1[%get3A, %get3A_0] : memref<128x16384xf32, #tpu.memory_space<vmem>>, vector<128x16384xf32>
    %get3A_2 = arith.constant 0 : index
    %get3A_3 = arith.constant 0 : index
    %get3A_4 = vector.load %arg2[%get3A_2, %get3A_3] : memref<2x16384xf32, #tpu.memory_space<vmem>>, vector<2x16384xf32>
    %dot_general3A = arith.constant dense<0.000000e+00> : vector<128x2xf32>
    %dot_general3A_5 = tpu.matmul %get3A_1, %get3A_4, %dot_general3A {dimension_numbers = #tpu.dot_dimension_numbers<[1], [1], [0], [0], [0, 0, 1, 0], [], []>, transpose_lhs_hint = false} : vector<128x16384xf32>, vector<2x16384xf32>, vector<128x2xf32> -> vector<128x2xf32>
    %get3A_6 = arith.constant 0 : index
    %get3A_7 = arith.constant 0 : index
    %get3A_8 = vector.load %arg3[%get3A_6, %get3A_7] : memref<1x2xf32, #tpu.memory_space<vmem>>, vector<1x2xf32>
    %add3A = vector.broadcast %get3A_8 : vector<1x2xf32> to vector<128x2xf32>
    %add3A_9 = arith.addf %dot_general3A_5, %add3A : vector<128x2xf32>
    %swap3A = arith.constant 0 : index
    %swap3A_10 = arith.constant 0 : index
    %swap3A_11 = vector.load %arg4[%swap3A, %swap3A_10] : memref<128x2xf32, #tpu.memory_space<vmem>>, vector<128x2xf32>
    tpu.vector_store %arg4[%swap3A, %swap3A_10], %add3A_9 {strides = array<i32>} : memref<128x2xf32, #tpu.memory_space<vmem>>, vector<128x2xf32>,
    return
  }
  func.func @transform_0(%arg0: i32) -> (i32, i32) {
    %add3A = arith.constant 16 : i32
    %add3A_0 = arith.addi %arg0, %add3A : i32
    %c0_i32 = arith.constant 0 : i32
    %c0_i32_1 = arith.constant 0 : i32
    return %add3A_0, %c0_i32 : i32, i32
  }
  func.func @transform_1(%arg0: i32) -> (i32, i32) {
    %c0_i32 = arith.constant 0 : i32
    %c0_i32_0 = arith.constant 0 : i32
    %c0_i32_1 = arith.constant 0 : i32
    return %c0_i32, %c0_i32_0 : i32, i32
  }
  func.func @transform_2(%arg0: i32) -> (i32, i32) {
    %c0_i32 = arith.constant 0 : i32
    %c0_i32_0 = arith.constant 0 : i32
    %c0_i32_1 = arith.constant 0 : i32
    return %c0_i32, %c0_i32_0 : i32, i32
  }
  func.func @transform_3(%arg0: i32) -> (i32, i32) {
    %add3A = arith.constant 16 : i32
    %add3A_0 = arith.addi %arg0, %add3A : i32
    %c0_i32 = arith.constant 0 : i32
    %c0_i32_1 = arith.constant 0 : i32
    return %add3A_0, %c0_i32 : i32, i32
  }
}

</mosaic_0001>

<sc_bundles>
// kernel: kernel.4.cloned.1.call-start
scs
__scs_entry_jumppad:
0x0: {  	(pc) =	sbr.rel $0x88, $3  }
0x1: {  	(tag) =	ssettag $0x0;
	lr =	simm.s32 $0x1  }
0x2: {  	[smem:$0x3F9E] =	sst lr;
	_ =	strace $0xD0000000  }
0x3: {  	_ = 	snop  }
0x4: {  	_ = 	snop  }
0x5: {  	_ = 	snop  }
0x6: {  	_ = 	snop  }
0x7: {  	_ = 	snop  }
__scs_overlays_trampoline_lowered:
0x8: {  	[smem:$0x3FAD] =	sst s0  }
0x9: {  	[smem:$0x3FAE] =	sst s1  }
0xa: {  	[smem:$0x3FAF] =	sst s2  }
0xb: {  	[smem:$0x3FB0] =	sst s3  }
0xc: {  	[smem:$0x3FB1] =	sst s4  }
0xd: {  	[smem:$0x3FB2] =	sst s5  }
0xe: {  	[smem:$0x3FB3] =	sst s6  }
0xf: {  	[smem:$0x3FB4] =	sst s7  }
0x10: {  	[smem:$0x3FB5] =	sst s8  }
0x11: {  	[smem:$0x3FB6] =	sst s9;
	s0 =	simm.s32 @!p0 $0x0  }
0x12: {  	s1 =	sld [smem:$0x3F9C];
	s0 =	simm.s32 @p0 $0x1  }
0x13: {  	[smem:$0x3FB7] =	sst s0;
	s0 =	simm.s32 @!p1 $0x0  }
0x14: {  	s2 =	sld [smem:$0x3F9B];
	s0 =	simm.s32 @p1 $0x1  }
0x15: {  	[smem:$0x3FB8] =	sst s0;
	s0 =	simm.s32 @!p2 $0x0  }
0x16: {  	s3 =	sld [smem:$0x3FDB];
	s0 =	simm.s32 @p2 $0x1  }
0x17: {  	s4 =	simm.s32 $0x1BF5;
	[smem:$0x3FBA] =	sst s0  }
0x18: {  	s0 =	sld [smem:$0x3F9D];
	_ =	swait.ge [sflag:s4], $0x0  }
0x19: {  	s7 =	sld [smem:$0x3F9E]  }
0x1a: {  	s8 =	sadd.s32 $0xFFFFE003, lr  }
0x1b: {  	s9 =	sadd.s32 $0xFFFFFEF7, lr;
	s5 =	simm.s32 $0xFFFFFFFF;
	p2 =	slt.u32 s8, $0xFFFFF086  }
0x1c: {  	p1 =	slt.u32 s9, $0xF7A;
	s5 =	simm.s32 @!p2 $0x0  }
0x1d: {  	s5 =	simm.s32 @p1 $0x1;
	p0 =	seq.s32 s7, s2  }
0x1e: {  	s7 =	smul.u32 @!p0 $0xF7A, s2;
	p2 =	seq.s32 @!p0 s5, $0x0  }
0x1f: {  	s9 =	smul.u32 $0xF7A, s1;
	s8 =	simm.s32 @!p0 $0x1BF5;
	p2 =	por !p2, p0  }
0x20: {  	[sflag:s8] =	ssyncset.s32 @!p0 $0xFFFFF086;
	s6 =	sadd.s32 @!p0 s3, s7;
	s7 =	simm.s32 @!p0 $0x108  }
0x21: {  	s3 =	sadd.s32 s3, s9;
	s6 =	sadd.s32 @!p0 $0x88, s6;
	s7 =	simm.s32 @p2 $0x1082  }
0x22: {  	[simem:s7], [sflag:s8] =	dma.local @!p0 [hbm:s6], $0xF7A  }
0x23: {  	s9 =	sor.u32 $0xD0000000, s2;
	s6 =	simm.s32 $0x108;
	_ =	swait.ge @!p0 [sflag:s8], $0x0  }
0x24: {  	s3 =	sadd.s32 $0x88, s3;
	s6 =	simm.s32 @!p1 $0x1082;
	[sflag:s4] =	ssyncset.s32 $0xFFFFF086  }
0x25: {  	[simem:s6], [sflag:s4] =	dma.local [hbm:s3], $0xF7A  }
0x26: {  	[smem:$0x3F9E] =	sst s1;
	(tag) =	ssettag s2;
	_ =	strace s9  }
0x27: {  	s1 =	sld [smem:$0x3FAE]  }
0x28: {  	s2 =	sld [smem:$0x3FAF]  }
0x29: {  	s4 =	sld [smem:$0x3FB1]  }
0x2a: {  	p0 =	seq.s32 s5, $0x0;
	s5 =	sld [smem:$0x3FB2]  }
0x2b: {  	s6 =	sld [smem:$0x3FB3]  }
0x2c: {  	s7 =	sld [smem:$0x3FB4]  }
0x2d: {  	s3 =	simm.s32 $0x108;
	s8 =	sld [smem:$0x3FB5]  }
0x2e: {  	s3 =	simm.s32 @!p0 $0x1082;
	s9 =	sld [smem:$0x3FB6]  }
0x2f: {  	lr =	sadd.s32 s0, s3;
	s0 =	sld [smem:$0x3FAD]  }
0x30: {  	s3 =	sld [smem:$0x3FB0]  }
0x31: {  	[smem:$0x3FB9] =	sst s10  }
0x32: {  	s10 =	sld [smem:$0x3FB7];
	_ =	sdelay $0x3  }
0x33: {  	p0 =	seq.s32 s10, $0x1;
	s10 =	sld [smem:$0x3FB9];
	_ =	sdelay $0x3  }
0x34: {  	[smem:$0x3FB9] =	sst s10  }
0x35: {  	s10 =	sld [smem:$0x3FB8];
	_ =	sdelay $0x3  }
0x36: {  	p1 =	seq.s32 s10, $0x1;
	s10 =	sld [smem:$0x3FB9];
	_ =	sdelay $0x3  }
0x37: {  	[smem:$0x3FB9] =	sst s10  }
0x38: {  	s10 =	sld [smem:$0x3FBA]  }
0x39: {  	_ = 	snop;
	(pc) =	sbr.ind lr, $3  }
0x3a: {  	_ = 	snop  }
0x3b: {  	_ = 	snop  }
0x3c: {  	p2 =	seq.s32 s10, $0x1;
	s10 =	sld [smem:$0x3FB9]  }
0x3d: {  	_ =	shalt  }
0x3e: {  	_ =	shalt  }
0x3f: {  	_ =	shalt  }
0x40: {  	_ =	shalt  }
0x41: {  	_ =	shalt  }
0x42: {  	_ =	shalt  }
0x43: {  	_ =	shalt  }
0x44: {  	_ =	shalt  }
0x45: {  	_ =	shalt  }
0x46: {  	_ =	shalt  }
0x47: {  	_ =	shalt  }
0x48: {  	_ =	shalt  }
0x49: {  	_ =	shalt  }
0x4a: {  	_ =	shalt  }
0x4b: {  	_ =	shalt  }
0x4c: {  	_ =	shalt  }
0x4d: {  	_ =	shalt  }
0x4e: {  	_ =	shalt  }
0x4f: {  	_ =	shalt  }
0x50: {  	_ =	shalt  }
0x51: {  	_ =	shalt  }
0x52: {  	_ =	shalt  }
0x53: {  	_ =	shalt  }
0x54: {  	_ =	shalt  }
0x55: {  	_ =	shalt  }
0x56: {  	_ =	shalt  }
0x57: {  	_ =	shalt  }
0x58: {  	_ =	shalt  }
0x59: {  	_ =	shalt  }
0x5a: {  	_ =	shalt  }
0x5b: {  	_ =	shalt  }
0x5c: {  	_ =	shalt  }
0x5d: {  	_ =	shalt  }
0x5e: {  	_ =	shalt  }
0x5f: {  	_ =	shalt  }
0x60: {  	_ =	shalt  }
0x61: {  	_ =	shalt  }
0x62: {  	_ =	shalt  }
0x63: {  	_ =	shalt  }
0x64: {  	_ =	shalt  }
0x65: {  	_ =	shalt  }
0x66: {  	_ =	shalt  }
0x67: {  	_ =	shalt  }
0x68: {  	_ =	shalt  }
0x69: {  	_ =	shalt  }
0x6a: {  	_ =	shalt  }
0x6b: {  	_ =	shalt  }
0x6c: {  	_ =	shalt  }
0x6d: {  	_ =	shalt  }
0x6e: {  	_ =	shalt  }
0x6f: {  	_ =	shalt  }
0x70: {  	_ =	shalt  }
0x71: {  	_ =	shalt  }
0x72: {  	_ =	shalt  }
0x73: {  	_ =	shalt  }
0x74: {  	_ =	shalt  }
0x75: {  	_ =	shalt  }
0x76: {  	_ =	shalt  }
0x77: {  	_ =	shalt  }
0x78: {  	_ =	shalt  }
0x79: {  	_ =	shalt  }
0x7a: {  	_ =	shalt  }
0x7b: {  	_ =	shalt  }
0x7c: {  	_ =	shalt  }
0x7d: {  	_ =	shalt  }
0x7e: {  	_ =	shalt  }
0x7f: {  	_ =	shalt  }
0x80: {  	_ =	shalt  }
0x81: {  	_ =	shalt  }
0x82: {  	_ =	shalt  }
0x83: {  	_ =	shalt  }
0x84: {  	_ =	shalt  }
0x85: {  	_ =	shalt  }
0x86: {  	_ =	shalt  }
0x87: {  	_ =	shalt  }
.Lfunc_end0:
.L_simem_size_0:
called_computation_lowered:
.L_overlay_start_0:
0x88: {  	s2 =	sld [smem:$0x3FD9]  }
0x89: {  	s3 =	sld [smem:$0x3FFE];
	_ =	sdelay $0x1  }
0x8a: {  	s1 =	srdreg.scid  }
0x8b: {  	s0 =	sand.u32 $0x1, s1  }
0x8c: {  	s17 =	sshll.u32 s0, $0xA;
	s2 =	sadd.s32 s3, s2  }
0x8d: {  	s2 =	sadd.s32 s2, s17  }
0x8e: {  	[smem:$0x3FC5] =	sst s2  }
0x8f: {  	_ = 	snop  }
0x90: {  	s2 =	sld [smem:$0x3FC9]  }
0x91: {  	s18 =	sld [smem:$0x3FC8]  }
0x92: {  	s4 =	sld [smem:$0x3FD0];
	(tm) =	ssettm $0x1  }
0x93: {  	s5 =	sld [smem:$0x3FFB];
	_ =	sdelay $0x3  }
0x94: {  	_ =	strace s5  }
0x95: {  	s5 =	sld [smem:$0x3FFC];
	_ =	sdelay $0x3  }
0x96: {  	_ =	strace s5  }
0x97: {  	s5 =	sld [smem:$0x3FFD];
	_ =	sdelay $0x3  }
0x98: {  	_ =	strace s5  }
0x99: {  	_ =	strace $0x8FFFFFFF  }
0x9a: {  	s19 =	sld [smem:$0x3FDB];
	_ =	sdelay $0x1  }
0x9b: {  	s6 =	simm.s32 $_scs_section_size  }
0x9c: {  	s7 =	simm.s32 $_size__tile_overlayer_lowered;
	s8 =	simm.s32 $_tile_overlayer_lowered  }
0x9d: {  	s22 =	simm.s32 $0x1BFF;
	s21 =	sshll.u32 s8, $0x1;
	s5 =	sadd.s32 s6, s19  }
0x9e: {  	s9 =	simm.s32 $0x0;
	s20 =	sshll.u32 s7, $0x1;
	s7 =	sadd.s32 s21, s5  }
0x9f: {  	[timem:s9], [sflag:s22] =	dma.local [hbm:s7], s20  }
0xa0: {  	_ =	swait.ge [sflag:s22], s20  }
0xa1: {  	s6 =	ssub.s32 $0x0, s20;
	[sflag:s22] =	ssyncset.done $0x0  }
0xa2: {  	[sflag:s22] =	ssyncadd.s32 s6;
	_ =	sdelay $0x1  }
0xa3: {  	s23 =	simm.s32 $0x1B8B  }
0xa4: {  	_ =	swait.ge [sflag:s23], $0x1  }
0xa5: {  	[sflag:s23] =	ssyncset.done $0x0  }
0xa6: {  	s25 =	simm.s32 $0x1B8E;
	s24 =	sld [smem:$0x3FFE];
	[sflag:s23] =	ssyncadd.s32 $0xFFFFFFFF  }
0xa7: {  	s26 =	simm.s32 $execute0_lowered;
	[smem:$0x3FD2] =	sst s25  }
0xa8: {  	s7 =	sshll.u32 s26, $0x1;
	_ =	strace $0x80000046;
	[dreg:$0x1] =	wrdreg $0xFFFFFFFF  }
0xa9: {  	s28 =	simm.s32 $_size_execute0_lowered;
	s5 =	sadd.s32 s5, s7;
	[dreg:$0x0] =	wrdreg $0x0  }
0xaa: {  	s7 =	sshll.u32 s28, $0x1;
	[dreg:$0x2] =	wrdreg s5  }
0xab: {  	[dreg:$0x3] =	wrdreg s7  }
0xac: {  	[dreg:$0x4] =	wrdreg $0xC0  }
0xad: {  	_ =	task [dreg:s9], $0x5FFFF  }
0xae: {  	[dreg:$0x1] =	wrdreg $0xFFFFFFFF  }
0xaf: {  	[dreg:$0x0] =	wrdreg $0x60  }
0xb0: {  	[dreg:$0x2] =	wrdreg s2  }
0xb1: {  	[dreg:$0x3] =	wrdreg s18  }
0xb2: {  	[dreg:$0x4] =	wrdreg s4  }
0xb3: {  	[dreg:$0x5] =	wrdreg s24  }
0xb4: {  	[dreg:$0x6] =	wrdreg $0x9  }
0xb5: {  	_ =	task.clear_ibuf [dreg:s9], $0x7FFFF;
	_ =	strace $0x90000046  }
0xb6: {  	s29 =	simm.s32 $0x9;
	_ =	strace $0x80000048  }
0xb7: {  	_ =	swait.ge [sflag:s29], $0x1  }
0xb8: {  	[sflag:s29] =	ssyncadd.s32 $0xFFFFFFFF  }
0xb9: {  	_ =	strace $0x90000048  }
0xba: {  	_ =	sfence  }
0xbb: {  	s30 =	sld [smem:$0x0];
	_ =	sdelay $0x2  }
0xbc: {  	s31 =	sshll.u32 s1, $0xD;
	s1 =	sshrl.u32 s1, $0x2  }
0xbd: {  	s3 =	sand.u32 $0x4000, s31;
	s1 =	sadd.s32 s1, s30  }
0xbe: {  	s0 =	sor.u32 s3, s0;
	s1 =	sshll.u32 s1, $0x11  }
0xbf: {  	s0 =	sor.u32 s1, s0  }
0xc0: {  	s0 =	sadd.s32 $0x8F2B, s0  }
0xc1: {  	[sflag:s0] =	ssyncadd.remote.s32 $0x1  }
0xc2: {  	_ =	sfence.sel $0xFFFF  }
0xc3: {  	[dreg:$0x0] =	wrdreg $0xFFFFFFFF;
	(pc) =	sbr.abs _section_cstart, $3  }
0xc4: {  	[dreg:$0x1] =	wrdreg $0xFFFFFFFF  }
0xc5: {  	_ =	task.clear_ibuf [dreg:s9], $0x2FFFF;
	_ =	strace $0x9FFFFFFF  }
0xc6: {  	(tm) =	ssettm $0x7FFFFFFF  }
0xc7: {  	_ =	shalt  }
tec
execute0_lowered:
.L_overlay_start_1:
0x0: {  	(tag) =	ssettag $0x1  }
0x1: {  	s1 =	rddreg [dreg:$0x0]  }
0x2: {  	s2 =	rddreg [dreg:$0x1]  }
0x3: {  	s4 =	rddreg [dreg:$0x2]  }
0x4: {  	s7 =	rddreg [dreg:$0x3];
	s5 =	srdreg.scid  }
0x5: {  	s0 =	rddreg [dreg:$0x4];
	s3 =	stileid.u32;
	s13 =	simm.s32 $0x8000  }
0x6: {  	s14 =	simm.s32 $0x200;
	s15 =	simm.s32 $0x400;
	s16 =	simm.s32 $0x8100  }
0x7: {  	s17 =	simm.s32 $0x18100;
	s18 =	simm.s32 $0x19100;
	s19 =	simm.s32 $0x0  }
0x8: {  	s8 =	sand.u32 $0x1, s5;
	s5 =	simm.s32 $0x0;
	s6 =	sshll.u32 s3, $0x7  }
0x9: {  	s9 =	sshll.u32 s8, $0x6;
	[smem:$0x7FF] =	sst s5;
	s8 =	ssub.s32 $0x2, s8  }
0xa: {  	s6 =	sor.u32 s9, s6;
	_ =	strace $0x80000047;
	s10 =	sshrl.u32 s8, $0x1  }
0xb: {  	s9 =	sshll.u32 s6, $0x4;
	s12 =	ssub.s32 s8, s10;
	s8 =	sadd.s32 $0x4000, s1  }
0xc: {  	v0 =	vlaneseq.u32;
	s11 =	sadd.s32 s9, s7;
	s7 =	sadd.s32 $0x40, s1;
	s9 =	sadd.s32 $0x4040, s1  }
0xd: {  	v0 =	vmul.u32 $0x80, v0;
	s10 =	sadd.s32 $0x400, s11;
	s11 =	smax.u32 s12, $0x1;
	s12 =	simm.s32 $0x1  }
.LBB2_1:
0xe: {  	[tilespmem:s5], [sflag:$0x1] =	stream.linear.gather [hbm4b:s2+s5], $0x8000, $0x38;
	[tilespmem:$0x1B100] =	vst v63  }
0xf: {  	_ =	swait.ge [sflag:s12], $0x8000  }
0x10: {  	[sflag:s12] =	ssyncset.done $0x0  }
0x11: {  	[sflag:s12] =	ssyncadd.s32 $0xFFFF8000  }
0x12: {  	[tilespmem:s13], [sflag:$0x1] =	stream.linear.gather [hbm4b:s4+s5], $0x100, $0x38;
	[tilespmem:$0x1B100] =	vst v63  }
0x13: {  	_ =	swait.ge [sflag:s12], $0x100  }
0x14: {  	[sflag:s12] =	ssyncset.done $0x0  }
0x15: {  	s20 =	simm.s32 $0x0;
	[sflag:s12] =	ssyncadd.s32 $0xFFFFFF00  }
.LBB2_2:
0x16: {  	s21 =	sshll.u32 s20, $0x4  }
0x17: {  	s22 =	sor.u32 s6, s21  }
0x18: {  	s22 =	sshll.u32 s22, $0xB  }
0x19: {  	s29 =	simm.s32 $0x0;
	s23 =	sadd.s32 s1, s22  }
0x1a: {  	[tilespmem:s16], [sflag:$0x1] =	stream.strided.gather [hbm4b:s23+s14], $0x10000, s15, s14, $0x38;
	[tilespmem:$0x1B100] =	vst v63  }
0x1b: {  	s24 =	simm.s32 $0x0;
	s25 =	simm.s32 $0x0;
	_ =	swait.ge [sflag:s12], $0x10000  }
0x1c: {  	s24 =	sand.u32 $0x3FFFFF00, s24;
	s23 =	sand.u32 $0x70, s29;
	[sflag:s12] =	ssyncset.done $0x0  }
0x1d: {  	s25 =	sand.u32 $0x3FFFFE00, s25;
	s24 =	sor.u32 s23, s24;
	[sflag:s12] =	ssyncadd.s32 $0xFFFF0000  }
0x1e: {  	s23 =	sor.u32 s23, s25;
	v7 =	vld [tilespmem:s24+$0x80]  }
0x1f: {  	v5 =	vld [tilespmem:s23+$0x8280]  }
0x20: {  	v1 =	vld [tilespmem:$0x8000]  }
0x21: {  	v14 =	vld [tilespmem:s24+$0x0]  }
0x22: {  	v8 =	vld [tilespmem:s23+$0x8100]  }
0x23: {  	s30 =	simm.s32 $0x10;
	s31 =	simm.s32 $0x20;
	v3 =	vld [tilespmem:$0x8080]  }
0x24: {  	s26 =	simm.s32 $0x40;
	s25 =	sand.u32 $0x3FFFFF00, s31;
	s24 =	sand.u32 $0x70, s30;
	v11 =	vld [tilespmem:s23+$0x8180];
	v10 =	vmul.f32 v5, v7  }
0x25: {  	s26 =	sand.u32 $0x3FFFFE00, s26;
	v9 =	vld [tilespmem:s23+$0x8200];
	s25 =	sor.u32 s24, s25  }
0x26: {  	s23 =	sor.u32 s24, s26;
	v2 =	vld [tilespmem:s25+$0x80];
	v15 =	vmul.f32 v5, v14  }
0x27: {  	v4 =	vld [tilespmem:s23+$0x8280];
	v18 =	vmul.f32 v8, v14;
	v17 =	vmul.f32 v8, v7;
	v16 =	vmov v1  }
0x28: {  	s24 =	simm.s32 $0x2;
	v6 =	vld [tilespmem:s25+$0x0];
	s25 =	simm.s32 $0x20;
	v13 =	vmovc v1;
	v12 =	vmovc v3;
	v8 =	vmov v3;
	v5 =	vadd.f32 v10, v3;
	v10 =	vmov v1  }
.LBB2_3:
0x29: {  	s26 =	sand.u32 $0x70, s25  }
0x2a: {  	s28 =	sshll.u32 s24, $0x5;
	s29 =	sshll.u32 s24, $0x6;
	v19 =	vld [tilespmem:s23+$0x8100];
	v20 =	vmul.f32 v11, v14;
	v21 =	vmul.f32 v11, v7;
	v1 =	vadd.f32 v15, v1;
	p0 =	sne.s32 s24, $0x3FF  }
.Ltmp0:
0x2b: {  	s24 =	sadd.s32 $0x1, s24;
	s28 =	sand.u32 $0x3FFFFF00, s28;
	v11 =	vld [tilespmem:s23+$0x8180];
	v16 =	vadd.f32 v18, v16;
	v22 =	vmul.f32 v9, v14;
	v18 =	vmul.f32 v9, v7;
	(pc) =	sbr.rel @p0 .LBB2_3-.Ltmp0, $4  }
0x2c: {  	s29 =	sand.u32 $0x3FFFFE00, s29;
	v3 =	vadd.f32 v17, v3;
	s28 =	sor.u32 s26, s28;
	v9 =	vld [tilespmem:s23+$0x8200];
	v13 =	vadd.f32 v20, v13;
	v7 =	vmov v2  }
0x2d: {  	s23 =	sor.u32 s26, s29;
	v12 =	vadd.f32 v21, v12;
	v2 =	vld [tilespmem:s28+$0x80];
	v20 =	vmul.f32 v4, v7;
	v10 =	vadd.f32 v22, v10  }
0x2e: {  	v8 =	vadd.f32 v18, v8;
	v15 =	vmul.f32 v4, v6;
	v4 =	vld [tilespmem:s23+$0x8280];
	v14 =	vmov v6  }
0x2f: {  	s25 =	sadd.s32 $0x10, s25;
	v6 =	vld [tilespmem:s28+$0x0];
	v18 =	vmul.f32 v19, v14;
	v17 =	vmul.f32 v19, v7;
	v5 =	vadd.f32 v20, v5  }
0x30: {  	v19 =	vld [tilespmem:s23+$0x8100];
	_ =	sdelay $0x1  }
0x31: {  	v20 =	vld [tilespmem:s23+$0x8180]  }
0x32: {  	v21 =	vmul.f32 v11, v14  }
0x33: {  	v11 =	vmul.f32 v11, v7;
	v22 =	vld [tilespmem:s23+$0x8200];
	v14 =	vmul.f32 v9, v14  }
0x34: {  	v16 =	vadd.f32 v18, v16;
	v7 =	vmul.f32 v9, v7;
	v18 =	vmul.f32 v19, v6  }
0x35: {  	v3 =	vadd.f32 v17, v3;
	v13 =	vadd.f32 v21, v13;
	v9 =	vmul.f32 v19, v2  }
0x36: {  	v11 =	vadd.f32 v11, v12;
	v17 =	vmul.f32 v20, v6;
	v16 =	vadd.f32 v18, v16  }
0x37: {  	v7 =	vadd.f32 v7, v8;
	v12 =	vmul.f32 v20, v2;
	v3 =	vadd.f32 v9, v3  }
0x38: {  	v8 =	vmul.f32 v22, v2;
	v2 =	vmul.f32 v4, v2;
	v13 =	vadd.f32 v17, v13;
	[tilespmem:$0x18100] =	vst v16  }
0x39: {  	v9 =	vadd.f32 v14, v10;
	v10 =	vmul.f32 v22, v6;
	v11 =	vadd.f32 v12, v11;
	[tilespmem:$0x18900] =	vst v3  }
0x3a: {  	v2 =	vadd.f32 v2, v5;
	[tilespmem:$0x18180] =	vst v13  }
0x3b: {  	v1 =	vadd.f32 v15, v1;
	v3 =	vmul.f32 v4, v6;
	v6 =	vadd.f32 v10, v9;
	[tilespmem:$0x18980] =	vst v11  }
0x3c: {  	v4 =	vadd.f32 v8, v7;
	[tilespmem:$0x18A80] =	vst v2  }
0x3d: {  	v1 =	vadd.f32 v3, v1;
	[tilespmem:$0x18200] =	vst v6  }
0x3e: {  	[tilespmem:$0x18A00] =	vst v4  }
0x3f: {  	s28 =	sadd.s32 s22, s7;
	s29 =	simm.s32 $0x0;
	[tilespmem:$0x18280] =	vst v1  }
0x40: {  	[tilespmem:s16], [sflag:$0x1] =	stream.strided.gather [hbm4b:s28+s14], $0x10000, s15, s14, $0x38;
	[tilespmem:$0x1B100] =	vst v63  }
0x41: {  	s24 =	simm.s32 $0x0;
	s25 =	simm.s32 $0x0;
	_ =	swait.ge [sflag:s12], $0x10000  }
0x42: {  	s23 =	sand.u32 $0x70, s29;
	s24 =	sand.u32 $0x3FFFFF00, s24;
	[sflag:s12] =	ssyncset.done $0x0  }
0x43: {  	s25 =	sand.u32 $0x3FFFFE00, s25;
	s24 =	sor.u32 s23, s24;
	[sflag:s12] =	ssyncadd.s32 $0xFFFF0000  }
0x44: {  	s23 =	sor.u32 s23, s25;
	v7 =	vld [tilespmem:s24+$0x80]  }
0x45: {  	v5 =	vld [tilespmem:s23+$0x8280]  }
0x46: {  	v1 =	vld [tilespmem:$0x8000]  }
0x47: {  	v14 =	vld [tilespmem:s24+$0x0]  }
0x48: {  	v8 =	vld [tilespmem:s23+$0x8100]  }
0x49: {  	s30 =	simm.s32 $0x10;
	s31 =	simm.s32 $0x20;
	v3 =	vld [tilespmem:$0x8080]  }
0x4a: {  	s26 =	simm.s32 $0x40;
	s25 =	sand.u32 $0x3FFFFF00, s31;
	s24 =	sand.u32 $0x70, s30;
	v11 =	vld [tilespmem:s23+$0x8180];
	v10 =	vmul.f32 v5, v7  }
0x4b: {  	s26 =	sand.u32 $0x3FFFFE00, s26;
	v9 =	vld [tilespmem:s23+$0x8200];
	s25 =	sor.u32 s24, s25  }
0x4c: {  	s23 =	sor.u32 s24, s26;
	v2 =	vld [tilespmem:s25+$0x80];
	v15 =	vmul.f32 v5, v14  }
0x4d: {  	v4 =	vld [tilespmem:s23+$0x8280];
	v18 =	vmul.f32 v8, v14;
	v17 =	vmul.f32 v8, v7;
	v16 =	vmov v1  }
0x4e: {  	s24 =	simm.s32 $0x2;
	v6 =	vld [tilespmem:s25+$0x0];
	s25 =	simm.s32 $0x20;
	v13 =	vmovc v1;
	v12 =	vmovc v3;
	v8 =	vmov v3;
	v5 =	vadd.f32 v10, v3;
	v10 =	vmov v1  }
.LBB2_5:
0x4f: {  	s26 =	sand.u32 $0x70, s25  }
0x50: {  	s28 =	sshll.u32 s24, $0x5;
	s29 =	sshll.u32 s24, $0x6;
	v19 =	vld [tilespmem:s23+$0x8100];
	v20 =	vmul.f32 v11, v14;
	v21 =	vmul.f32 v11, v7;
	v1 =	vadd.f32 v15, v1;
	p0 =	sne.s32 s24, $0x3FF  }
.Ltmp1:
0x51: {  	s24 =	sadd.s32 $0x1, s24;
	s28 =	sand.u32 $0x3FFFFF00, s28;
	v11 =	vld [tilespmem:s23+$0x8180];
	v16 =	vadd.f32 v18, v16;
	v22 =	vmul.f32 v9, v14;
	v18 =	vmul.f32 v9, v7;
	(pc) =	sbr.rel @p0 .LBB2_5-.Ltmp1, $4  }
0x52: {  	s29 =	sand.u32 $0x3FFFFE00, s29;
	v3 =	vadd.f32 v17, v3;
	s28 =	sor.u32 s26, s28;
	v9 =	vld [tilespmem:s23+$0x8200];
	v13 =	vadd.f32 v20, v13;
	v7 =	vmov v2  }
0x53: {  	s23 =	sor.u32 s26, s29;
	v12 =	vadd.f32 v21, v12;
	v2 =	vld [tilespmem:s28+$0x80];
	v20 =	vmul.f32 v4, v7;
	v10 =	vadd.f32 v22, v10  }
0x54: {  	v8 =	vadd.f32 v18, v8;
	v15 =	vmul.f32 v4, v6;
	v4 =	vld [tilespmem:s23+$0x8280];
	v14 =	vmov v6  }
0x55: {  	s25 =	sadd.s32 $0x10, s25;
	v6 =	vld [tilespmem:s28+$0x0];
	v18 =	vmul.f32 v19, v14;
	v17 =	vmul.f32 v19, v7;
	v5 =	vadd.f32 v20, v5  }
0x56: {  	v19 =	vld [tilespmem:s23+$0x8100];
	_ =	sdelay $0x1  }
0x57: {  	v20 =	vld [tilespmem:s23+$0x8180]  }
0x58: {  	v21 =	vmul.f32 v11, v14  }
0x59: {  	v11 =	vmul.f32 v11, v7;
	v22 =	vld [tilespmem:s23+$0x8200];
	v14 =	vmul.f32 v9, v14  }
0x5a: {  	v16 =	vadd.f32 v18, v16;
	v7 =	vmul.f32 v9, v7;
	v18 =	vmul.f32 v19, v6  }
0x5b: {  	v3 =	vadd.f32 v17, v3;
	v13 =	vadd.f32 v21, v13;
	v9 =	vmul.f32 v19, v2  }
0x5c: {  	v11 =	vadd.f32 v11, v12;
	v17 =	vmul.f32 v20, v6;
	v16 =	vadd.f32 v18, v16  }
0x5d: {  	v7 =	vadd.f32 v7, v8;
	v12 =	vmul.f32 v20, v2;
	v3 =	vadd.f32 v9, v3  }
0x5e: {  	v8 =	vmul.f32 v22, v2;
	v2 =	vmul.f32 v4, v2;
	v13 =	vadd.f32 v17, v13;
	[tilespmem:$0x18300] =	vst v16  }
0x5f: {  	v9 =	vadd.f32 v14, v10;
	v10 =	vmul.f32 v22, v6;
	v11 =	vadd.f32 v12, v11;
	[tilespmem:$0x18B00] =	vst v3  }
0x60: {  	v2 =	vadd.f32 v2, v5;
	[tilespmem:$0x18380] =	vst v13  }
0x61: {  	v1 =	vadd.f32 v15, v1;
	v3 =	vmul.f32 v4, v6;
	v6 =	vadd.f32 v10, v9;
	[tilespmem:$0x18B80] =	vst v11  }
0x62: {  	v4 =	vadd.f32 v8, v7;
	[tilespmem:$0x18C80] =	vst v2  }
0x63: {  	v1 =	vadd.f32 v3, v1;
	[tilespmem:$0x18400] =	vst v6  }
0x64: {  	[tilespmem:$0x18C00] =	vst v4  }
0x65: {  	s28 =	sadd.s32 s22, s8;
	s29 =	simm.s32 $0x0;
	[tilespmem:$0x18480] =	vst v1  }
0x66: {  	[tilespmem:s16], [sflag:$0x1] =	stream.strided.gather [hbm4b:s28+s14], $0x10000, s15, s14, $0x38;
	[tilespmem:$0x1B100] =	vst v63  }
0x67: {  	s24 =	simm.s32 $0x0;
	s25 =	simm.s32 $0x0;
	_ =	swait.ge [sflag:s12], $0x10000  }
0x68: {  	s23 =	sand.u32 $0x70, s29;
	s24 =	sand.u32 $0x3FFFFF00, s24;
	[sflag:s12] =	ssyncset.done $0x0  }
0x69: {  	s25 =	sand.u32 $0x3FFFFE00, s25;
	s24 =	sor.u32 s23, s24;
	[sflag:s12] =	ssyncadd.s32 $0xFFFF0000  }
0x6a: {  	s23 =	sor.u32 s23, s25;
	v7 =	vld [tilespmem:s24+$0x80]  }
0x6b: {  	v5 =	vld [tilespmem:s23+$0x8280]  }
0x6c: {  	v1 =	vld [tilespmem:$0x8000]  }
0x6d: {  	v14 =	vld [tilespmem:s24+$0x0]  }
0x6e: {  	v8 =	vld [tilespmem:s23+$0x8100]  }
0x6f: {  	s30 =	simm.s32 $0x10;
	s31 =	simm.s32 $0x20;
	v3 =	vld [tilespmem:$0x8080]  }
0x70: {  	s26 =	simm.s32 $0x40;
	s25 =	sand.u32 $0x3FFFFF00, s31;
	s24 =	sand.u32 $0x70, s30;
	v11 =	vld [tilespmem:s23+$0x8180];
	v10 =	vmul.f32 v5, v7  }
0x71: {  	s26 =	sand.u32 $0x3FFFFE00, s26;
	v9 =	vld [tilespmem:s23+$0x8200];
	s25 =	sor.u32 s24, s25  }
0x72: {  	s23 =	sor.u32 s24, s26;
	v2 =	vld [tilespmem:s25+$0x80];
	v15 =	vmul.f32 v5, v14  }
0x73: {  	v4 =	vld [tilespmem:s23+$0x8280];
	v18 =	vmul.f32 v8, v14;
	v17 =	vmul.f32 v8, v7;
	v16 =	vmov v1  }
0x74: {  	s24 =	simm.s32 $0x2;
	v6 =	vld [tilespmem:s25+$0x0];
	s25 =	simm.s32 $0x20;
	v13 =	vmovc v1;
	v12 =	vmovc v3;
	v8 =	vmov v3;
	v5 =	vadd.f32 v10, v3;
	v10 =	vmov v1  }
.LBB2_7:
0x75: {  	s26 =	sand.u32 $0x70, s25  }
0x76: {  	s28 =	sshll.u32 s24, $0x5;
	s29 =	sshll.u32 s24, $0x6;
	v19 =	vld [tilespmem:s23+$0x8100];
	v20 =	vmul.f32 v11, v14;
	v21 =	vmul.f32 v11, v7;
	v1 =	vadd.f32 v15, v1;
	p0 =	sne.s32 s24, $0x3FF  }
.Ltmp2:
0x77: {  	s24 =	sadd.s32 $0x1, s24;
	s28 =	sand.u32 $0x3FFFFF00, s28;
	v11 =	vld [tilespmem:s23+$0x8180];
	v16 =	vadd.f32 v18, v16;
	v22 =	vmul.f32 v9, v14;
	v18 =	vmul.f32 v9, v7;
	(pc) =	sbr.rel @p0 .LBB2_7-.Ltmp2, $4  }
0x78: {  	s29 =	sand.u32 $0x3FFFFE00, s29;
	v3 =	vadd.f32 v17, v3;
	s28 =	sor.u32 s26, s28;
	v9 =	vld [tilespmem:s23+$0x8200];
	v13 =	vadd.f32 v20, v13;
	v7 =	vmov v2  }
0x79: {  	s23 =	sor.u32 s26, s29;
	v12 =	vadd.f32 v21, v12;
	v2 =	vld [tilespmem:s28+$0x80];
	v20 =	vmul.f32 v4, v7;
	v10 =	vadd.f32 v22, v10  }
0x7a: {  	v8 =	vadd.f32 v18, v8;
	v15 =	vmul.f32 v4, v6;
	v4 =	vld [tilespmem:s23+$0x8280];
	v14 =	vmov v6  }
0x7b: {  	s25 =	sadd.s32 $0x10, s25;
	v6 =	vld [tilespmem:s28+$0x0];
	v18 =	vmul.f32 v19, v14;
	v17 =	vmul.f32 v19, v7;
	v5 =	vadd.f32 v20, v5  }
0x7c: {  	v19 =	vld [tilespmem:s23+$0x8100];
	_ =	sdelay $0x1  }
0x7d: {  	v20 =	vld [tilespmem:s23+$0x8180]  }
0x7e: {  	v21 =	vmul.f32 v11, v14  }
0x7f: {  	v11 =	vmul.f32 v11, v7;
	v22 =	vld [tilespmem:s23+$0x8200];
	v14 =	vmul.f32 v9, v14  }
0x80: {  	v16 =	vadd.f32 v18, v16;
	v7 =	vmul.f32 v9, v7;
	v18 =	vmul.f32 v19, v6  }
0x81: {  	v3 =	vadd.f32 v17, v3;
	v13 =	vadd.f32 v21, v13;
	v9 =	vmul.f32 v19, v2  }
0x82: {  	v11 =	vadd.f32 v11, v12;
	v17 =	vmul.f32 v20, v6;
	v16 =	vadd.f32 v18, v16  }
0x83: {  	v7 =	vadd.f32 v7, v8;
	v12 =	vmul.f32 v20, v2;
	v3 =	vadd.f32 v9, v3  }
0x84: {  	v8 =	vmul.f32 v22, v2;
	v2 =	vmul.f32 v4, v2;
	v13 =	vadd.f32 v17, v13;
	[tilespmem:$0x18500] =	vst v16  }
0x85: {  	v9 =	vadd.f32 v14, v10;
	v10 =	vmul.f32 v22, v6;
	v11 =	vadd.f32 v12, v11;
	[tilespmem:$0x18D00] =	vst v3  }
0x86: {  	v2 =	vadd.f32 v2, v5;
	[tilespmem:$0x18580] =	vst v13  }
0x87: {  	v1 =	vadd.f32 v15, v1;
	v3 =	vmul.f32 v4, v6;
	v6 =	vadd.f32 v10, v9;
	[tilespmem:$0x18D80] =	vst v11  }
0x88: {  	v4 =	vadd.f32 v8, v7;
	[tilespmem:$0x18E80] =	vst v2  }
0x89: {  	v1 =	vadd.f32 v3, v1;
	[tilespmem:$0x18600] =	vst v6  }
0x8a: {  	[tilespmem:$0x18E00] =	vst v4  }
0x8b: {  	s22 =	sadd.s32 s22, s9;
	s28 =	simm.s32 $0x0;
	[tilespmem:$0x18680] =	vst v1  }
0x8c: {  	[tilespmem:s16], [sflag:$0x1] =	stream.strided.gather [hbm4b:s22+s14], $0x10000, s15, s14, $0x38;
	[tilespmem:$0x1B100] =	vst v63  }
0x8d: {  	s29 =	simm.s32 $0x0;
	s24 =	simm.s32 $0x0;
	_ =	swait.ge [sflag:s12], $0x10000  }
0x8e: {  	s23 =	sand.u32 $0x3FFFFF00, s29;
	s22 =	sand.u32 $0x70, s28;
	[sflag:s12] =	ssyncset.done $0x0  }
0x8f: {  	s24 =	sand.u32 $0x3FFFFE00, s24;
	s23 =	sor.u32 s22, s23;
	[sflag:s12] =	ssyncadd.s32 $0xFFFF0000  }
0x90: {  	s22 =	sor.u32 s22, s24;
	v7 =	vld [tilespmem:s23+$0x80]  }
0x91: {  	v5 =	vld [tilespmem:s22+$0x8280]  }
0x92: {  	v1 =	vld [tilespmem:$0x8000]  }
0x93: {  	v14 =	vld [tilespmem:s23+$0x0]  }
0x94: {  	v8 =	vld [tilespmem:s22+$0x8100]  }
0x95: {  	s30 =	simm.s32 $0x10;
	s31 =	simm.s32 $0x20;
	v3 =	vld [tilespmem:$0x8080]  }
0x96: {  	s25 =	simm.s32 $0x40;
	s24 =	sand.u32 $0x3FFFFF00, s31;
	s23 =	sand.u32 $0x70, s30;
	v11 =	vld [tilespmem:s22+$0x8180];
	v10 =	vmul.f32 v5, v7  }
0x97: {  	s25 =	sand.u32 $0x3FFFFE00, s25;
	v9 =	vld [tilespmem:s22+$0x8200];
	s24 =	sor.u32 s23, s24  }
0x98: {  	s22 =	sor.u32 s23, s25;
	v2 =	vld [tilespmem:s24+$0x80];
	v15 =	vmul.f32 v5, v14  }
0x99: {  	v4 =	vld [tilespmem:s22+$0x8280];
	v18 =	vmul.f32 v8, v14;
	v17 =	vmul.f32 v8, v7;
	v16 =	vmov v1  }
0x9a: {  	s23 =	simm.s32 $0x2;
	v6 =	vld [tilespmem:s24+$0x0];
	s24 =	simm.s32 $0x20;
	v13 =	vmovc v1;
	v12 =	vmovc v3;
	v8 =	vmov v3;
	v5 =	vadd.f32 v10, v3;
	v10 =	vmov v1  }
.LBB2_9:
0x9b: {  	s25 =	sand.u32 $0x70, s24  }
0x9c: {  	s26 =	sshll.u32 s23, $0x5;
	s28 =	sshll.u32 s23, $0x6;
	v19 =	vld [tilespmem:s22+$0x8100];
	v20 =	vmul.f32 v11, v14;
	v21 =	vmul.f32 v11, v7;
	v1 =	vadd.f32 v15, v1;
	p0 =	sne.s32 s23, $0x3FF  }
.Ltmp3:
0x9d: {  	s23 =	sadd.s32 $0x1, s23;
	s26 =	sand.u32 $0x3FFFFF00, s26;
	v11 =	vld [tilespmem:s22+$0x8180];
	v16 =	vadd.f32 v18, v16;
	v22 =	vmul.f32 v9, v14;
	v18 =	vmul.f32 v9, v7;
	(pc) =	sbr.rel @p0 .LBB2_9-.Ltmp3, $4  }
0x9e: {  	s28 =	sand.u32 $0x3FFFFE00, s28;
	v3 =	vadd.f32 v17, v3;
	s26 =	sor.u32 s25, s26;
	v9 =	vld [tilespmem:s22+$0x8200];
	v13 =	vadd.f32 v20, v13;
	v7 =	vmov v2  }
0x9f: {  	s22 =	sor.u32 s25, s28;
	v12 =	vadd.f32 v21, v12;
	v2 =	vld [tilespmem:s26+$0x80];
	v20 =	vmul.f32 v4, v7;
	v10 =	vadd.f32 v22, v10  }
0xa0: {  	v8 =	vadd.f32 v18, v8;
	v15 =	vmul.f32 v4, v6;
	v4 =	vld [tilespmem:s22+$0x8280];
	v14 =	vmov v6  }
0xa1: {  	s24 =	sadd.s32 $0x10, s24;
	v6 =	vld [tilespmem:s26+$0x0];
	v18 =	vmul.f32 v19, v14;
	v17 =	vmul.f32 v19, v7;
	v5 =	vadd.f32 v20, v5  }
0xa2: {  	v19 =	vld [tilespmem:s22+$0x8100];
	_ =	sdelay $0x1  }
0xa3: {  	v20 =	vld [tilespmem:s22+$0x8180];
	_ =	sdelay $0x1  }
0xa4: {  	v21 =	vmul.f32 v11, v14;
	v32 =	vmul.f32 v11, v7;
	v22 =	vld [tilespmem:s22+$0x8200]  }
0xa5: {  	v16 =	vadd.f32 v18, v16;
	v33 =	vmul.f32 v9, v14;
	v34 =	vmul.f32 v19, v6  }
0xa6: {  	v35 =	vmul.f32 v9, v7;
	v3 =	vadd.f32 v17, v3;
	v36 =	vmul.f32 v19, v2  }
0xa7: {  	v13 =	vadd.f32 v21, v13;
	v37 =	vmul.f32 v20, v6;
	v16 =	vadd.f32 v34, v16  }
0xa8: {  	v11 =	vadd.f32 v32, v12;
	v38 =	vmul.f32 v20, v2;
	v3 =	vadd.f32 v36, v3  }
0xa9: {  	v39 =	vadd.f32 v33, v10;
	v40 =	vmul.f32 v22, v6;
	v13 =	vadd.f32 v37, v13;
	[tilespmem:$0x18700] =	vst v16  }
0xaa: {  	v7 =	vadd.f32 v35, v8;
	v41 =	vmul.f32 v22, v2;
	v11 =	vadd.f32 v38, v11;
	[tilespmem:$0x18F00] =	vst v3  }
0xab: {  	v2 =	vmul.f32 v4, v2;
	v42 =	vadd.f32 v40, v39;
	[tilespmem:$0x18780] =	vst v13  }
0xac: {  	v1 =	vadd.f32 v15, v1;
	v43 =	vadd.f32 v41, v7;
	v3 =	vmul.f32 v4, v6;
	[tilespmem:$0x18F80] =	vst v11  }
0xad: {  	v2 =	vadd.f32 v2, v5;
	[tilespmem:$0x18800] =	vst v42  }
0xae: {  	[tilespmem:$0x19000] =	vst v43;
	v1 =	vadd.f32 v3, v1;
	v3 =	vor.u32 $0x1, v0  }
0xaf: {  	[tilespmem:$0x19080] =	vst v2  }
0xb0: {  	[tilespmem:$0x18880] =	vst v1;
	v1 =	vor.u32 $0x2, v0  }
0xb1: {  	v2 =	vld.idx.msk [tilespmem:v0+s17+$0x0], $0xffff  }
0xb2: {  	v44 =	vor.u32 $0x3, v0  }
0xb3: {  	v3 =	vld.idx.msk [tilespmem:v3+s17+$0x0], $0xffff  }
0xb4: {  	v45 =	vor.u32 $0x4, v0  }
0xb5: {  	v1 =	vld.idx.msk [tilespmem:v1+s17+$0x0], $0xffff  }
0xb6: {  	v46 =	vor.u32 $0x5, v0;
	v2 =	vadd.f32 $0.0e+00, v2  }
0xb7: {  	v4 =	vld.idx.msk [tilespmem:v44+s17+$0x0], $0xffff  }
0xb8: {  	v2 =	vadd.f32 v3, v2;
	v3 =	vor.u32 $0x6, v0  }
0xb9: {  	v5 =	vld.idx.msk [tilespmem:v45+s17+$0x0], $0xffff  }
0xba: {  	v1 =	vadd.f32 v1, v2;
	v2 =	vor.u32 $0x7, v0  }
0xbb: {  	v6 =	vld.idx.msk [tilespmem:v46+s17+$0x0], $0xffff  }
0xbc: {  	v47 =	vor.u32 $0x8, v0;
	v1 =	vadd.f32 v4, v1  }
0xbd: {  	v3 =	vld.idx.msk [tilespmem:v3+s17+$0x0], $0xffff  }
0xbe: {  	v48 =	vor.u32 $0x9, v0;
	v1 =	vadd.f32 v5, v1  }
0xbf: {  	v2 =	vld.idx.msk [tilespmem:v2+s17+$0x0], $0xffff  }
0xc0: {  	v49 =	vor.u32 $0xA, v0;
	v1 =	vadd.f32 v6, v1  }
0xc1: {  	v4 =	vld.idx.msk [tilespmem:v47+s17+$0x0], $0xffff  }
0xc2: {  	v1 =	vadd.f32 v3, v1;
	v3 =	vor.u32 $0xB, v0  }
0xc3: {  	v5 =	vld.idx.msk [tilespmem:v48+s17+$0x0], $0xffff  }
0xc4: {  	v1 =	vadd.f32 v2, v1;
	v2 =	vor.u32 $0xC, v0  }
0xc5: {  	v6 =	vld.idx.msk [tilespmem:v49+s17+$0x0], $0xffff  }
0xc6: {  	v50 =	vor.u32 $0xD, v0;
	v1 =	vadd.f32 v4, v1  }
0xc7: {  	v3 =	vld.idx.msk [tilespmem:v3+s17+$0x0], $0xffff  }
0xc8: {  	v51 =	vor.u32 $0xE, v0;
	v1 =	vadd.f32 v5, v1  }
0xc9: {  	v2 =	vld.idx.msk [tilespmem:v2+s17+$0x0], $0xffff  }
0xca: {  	v52 =	vor.u32 $0xF, v0;
	v1 =	vadd.f32 v6, v1  }
0xcb: {  	v4 =	vld.idx.msk [tilespmem:v50+s17+$0x0], $0xffff  }
0xcc: {  	v1 =	vadd.f32 v3, v1  }
0xcd: {  	v3 =	vld.idx.msk [tilespmem:v51+s17+$0x0], $0xffff  }
0xce: {  	v1 =	vadd.f32 v2, v1  }
0xcf: {  	v53 =	vmov s21;
	v2 =	vld.idx.msk [tilespmem:v52+s17+$0x0], $0xffff  }
0xd0: {  	v54 =	vshll.u32 v53, $0x7;
	v1 =	vadd.f32 v4, v1  }
0xd1: {  	v4 =	vor.u32 v0, v54  }
0xd2: {  	v1 =	vadd.f32 v3, v1;
	v3 =	vor.u32 $0x800, v0;
	_ =	sdelay $0x1  }
0xd3: {  	v1 =	vadd.f32 v2, v1;
	v2 =	vor.u32 $0x801, v0;
	_ =	sdelay $0x1  }
0xd4: {  	[tilespmem:v4+s18+$0x0] =	vst.idx.msk $0xffff, v1;
	v1 =	vor.u32 $0x802, v0  }
0xd5: {  	v3 =	vld.idx.msk [tilespmem:v3+s17+$0x0], $0xffff  }
0xd6: {  	v55 =	vor.u32 $0x803, v0  }
0xd7: {  	v2 =	vld.idx.msk [tilespmem:v2+s17+$0x0], $0xffff  }
0xd8: {  	v56 =	vor.u32 $0x804, v0  }
0xd9: {  	v1 =	vld.idx.msk [tilespmem:v1+s17+$0x0], $0xffff  }
0xda: {  	v57 =	vor.u32 $0x805, v0;
	v3 =	vadd.f32 $0.0e+00, v3  }
0xdb: {  	v5 =	vld.idx.msk [tilespmem:v55+s17+$0x0], $0xffff  }
0xdc: {  	v2 =	vadd.f32 v2, v3;
	v3 =	vor.u32 $0x806, v0  }
0xdd: {  	v6 =	vld.idx.msk [tilespmem:v56+s17+$0x0], $0xffff  }
0xde: {  	v1 =	vadd.f32 v1, v2;
	v2 =	vor.u32 $0x807, v0  }
0xdf: {  	v7 =	vld.idx.msk [tilespmem:v57+s17+$0x0], $0xffff  }
0xe0: {  	v58 =	vor.u32 $0x808, v0;
	v1 =	vadd.f32 v5, v1  }
0xe1: {  	v3 =	vld.idx.msk [tilespmem:v3+s17+$0x0], $0xffff  }
0xe2: {  	v59 =	vor.u32 $0x809, v0;
	v1 =	vadd.f32 v6, v1  }
0xe3: {  	v2 =	vld.idx.msk [tilespmem:v2+s17+$0x0], $0xffff  }
0xe4: {  	v60 =	vor.u32 $0x80A, v0;
	v1 =	vadd.f32 v7, v1  }
0xe5: {  	v5 =	vld.idx.msk [tilespmem:v58+s17+$0x0], $0xffff  }
0xe6: {  	v1 =	vadd.f32 v3, v1;
	v3 =	vor.u32 $0x80B, v0  }
0xe7: {  	v6 =	vld.idx.msk [tilespmem:v59+s17+$0x0], $0xffff  }
0xe8: {  	v1 =	vadd.f32 v2, v1;
	v2 =	vor.u32 $0x80C, v0  }
0xe9: {  	v7 =	vld.idx.msk [tilespmem:v60+s17+$0x0], $0xffff  }
0xea: {  	v61 =	vor.u32 $0x80D, v0;
	v1 =	vadd.f32 v5, v1  }
0xeb: {  	v3 =	vld.idx.msk [tilespmem:v3+s17+$0x0], $0xffff  }
0xec: {  	v62 =	vor.u32 $0x80E, v0;
	v1 =	vadd.f32 v6, v1  }
0xed: {  	v2 =	vld.idx.msk [tilespmem:v2+s17+$0x0], $0xffff  }
0xee: {  	v63 =	vor.u32 $0x80F, v0;
	v1 =	vadd.f32 v7, v1  }
0xef: {  	v5 =	vld.idx.msk [tilespmem:v61+s17+$0x0], $0xffff  }
0xf0: {  	v1 =	vadd.f32 v3, v1  }
0xf1: {  	v3 =	vld.idx.msk [tilespmem:v62+s17+$0x0], $0xffff  }
0xf2: {  	v1 =	vadd.f32 v2, v1  }
0xf3: {  	v2 =	vld.idx.msk [tilespmem:v63+s17+$0x0], $0xffff  }
0xf4: {  	s20 =	sadd.s32 $0x1, s20;
	v1 =	vadd.f32 v5, v1  }
0xf5: {  	p0 =	sne.s32 s20, $0x4;
	v4 =	vor.u32 $0x1, v4  }
.Ltmp4:
0xf6: {  	v1 =	vadd.f32 v3, v1;
	(pc) =	sbr.rel @p0 .LBB2_2-.Ltmp4, $3  }
0xf7: {  	_ = 	snop  }
0xf8: {  	v1 =	vadd.f32 v2, v1;
	_ =	sdelay $0x1  }
0xf9: {  	[tilespmem:v4+s18+$0x0] =	vst.idx.msk $0xffff, v1  }
0xfa: {  	s19 =	sadd.s32 $0x1, s19  }
0xfb: {  	p0 =	sne.s32 s19, s11  }
.Ltmp5:
0xfc: {  	_ = 	snop;
	(pc) =	sbr.rel @p0 .LBB2_1-.Ltmp5, $4  }
0xfd: {  	[hbm4b:s10+s5] =	stream.linear.scatter [tilespmem:s18], [sflag:$0x1], $0x2000, $0x38;
	[tilespmem:$0x1B100] =	vst v63  }
0xfe: {  	_ =	swait.ge [sflag:s12], $0x2000  }
0xff: {  	[sflag:s12] =	ssyncset.done $0x0  }
0x100: {  	[sflag:s12] =	ssyncadd.s32 $0xFFFFE000  }
0x101: {  	_ =	sfence.sel $0x180000  }
0x102: {  	[bflag:$0x0] =	sbarrier.arrive $0xFFFF  }
0x103: {  	p0 =	sne.s32 s3, $0x0;
	_ =	strace $0x90000047  }
0x104: {  	s0 =	sadd.s32 @!p0 $0x100000, s0;
	[bflag:$0x2] =	sbarrier.arrive $0xFFFF  }
0x105: {  	[sflag:s0] =	ssyncadd.tile.s32 @!p0 $0x1;
	_ =	shalt  }
.Lfunc_end2:
_tile_overlayer_lowered:
.L_overlay_start_2:
0x106: {  	(tag) =	ssettag $0x2  }
0x107: {  	s0 =	rddreg [dreg:$0x0];
	s2 =	stileid.u32  }
0x108: {  	s1 =	rddreg [dreg:$0x1];
	p0 =	sne.s32 s2, $0x0  }
0x109: {  	s3 =	rddreg [dreg:$0x2];
	[bflag:$0x3] =	sbarrier.arrive $0xFFFF;
	s2 =	simm.s32 @!p0 $0x1C01  }
0x10a: {  	[timem:s3], [sflag:s2] =	dma.local @!p0 [hbm:s0], s1  }
0x10b: {  	s0 =	simm.s32 @!p0 $0x1  }
0x10c: {  	_ =	swait.ge @!p0 [sflag:s0], s1  }
0x10d: {  	s1 =	ssub.s32 @!p0 $0x0, s1;
	[sflag:s0] =	ssyncset.done @!p0 $0x0  }
0x10e: {  	[sflag:s0] =	ssyncadd.s32 @!p0 s1  }
0x10f: {  	[bflag:$0x3] =	sbarrier.arrive $0xFFFF  }
0x110: {  	_ =	shalt  }

</sc_bundles>
